<compile_context>
chip_gen: v7x
topology: tpu7x:2x2x1
jax: 0.10.2.dev20260603
libtpu: 0.0.44.dev20260713+nightly
codegen_flags: <defaults>
</compile_context>

<pallas_src>
import functools

import jax
import jax.numpy as jnp
from jax import lax
from jax.experimental import pallas as pl
from jax.experimental.pallas import tpu as pltpu
from jax.experimental.pallas import tpu_sc as plsc

N = 10000
E = 320000
D = 128
NC = 2
NS = 16
NW = NC * NS
EPT = E // NW

CHUNK = 128
BCH = 16
BLK_EDGES = BCH * CHUNK
NBLK0 = 5
NBLK1 = 5
TBLK = NS * (NBLK0 + NBLK1)
E_PAD = TBLK * BLK_EDGES
N_PAD = 10240
ROWS_PT = N_PAD // NS

_mesh = plsc.VectorSubcoreMesh(core_axis_name="c", subcore_axis_name="s")
_sc_params = pltpu.CompilerParams(needs_layout_passes=False)


def _deg_body(dst_hbm, zeros_hbm, degp_hbm, idx_v, deg_v):
    c = lax.axis_index("c")
    s = lax.axis_index("s")
    w = c * NS + s
    pltpu.sync_copy(zeros_hbm, deg_v)
    pltpu.sync_copy(dst_hbm.at[pl.ds(w * EPT, EPT)], idx_v)
    ones = jnp.full((16,), 1.0, dtype=jnp.float32)

    def body(j, carry):
        idx = idx_v[pl.ds(j * 16, 16)]
        plsc.addupdate_scatter(deg_v, [idx], ones)
        return carry

    lax.fori_loop(0, EPT // 16, body, 0)
    pltpu.sync_copy(deg_v, degp_hbm.at[w])


_deg_kernel = functools.partial(
    pl.kernel,
    out_type=jax.ShapeDtypeStruct((NW, N_PAD), jnp.float32),
    mesh=_mesh,
    compiler_params=_sc_params,
    scratch_types=[
        pltpu.VMEM((EPT,), jnp.int32),
        pltpu.VMEM((N_PAD,), jnp.float32),
    ],
)(_deg_body)


def _agg_body(h2_hbm, srcr_hbm, dstr_hbm, zrows_hbm, aggp_hbm,
              src_v, dst_v, rows0, rows1, acc_sh, sem0, sem1):
    c = lax.axis_index("c")
    s = lax.axis_index("s")
    base_blk = jnp.where(c == 0, s * NBLK0, NS * NBLK0 + s * NBLK1)
    nblk = jnp.where(c == 0, NBLK0, NBLK1)
    pltpu.sync_copy(zrows_hbm, acc_sh.at[pl.ds(s * ROWS_PT, ROWS_PT)])
    plsc.subcore_barrier()

    def block(blk, carry):
        pltpu.sync_copy(srcr_hbm.at[base_blk + blk], src_v)
        pltpu.sync_copy(dstr_hbm.at[base_blk + blk], dst_v)
        pltpu.async_copy(h2_hbm.at[src_v.at[0]], rows0, sem0)
        pltpu.async_copy(h2_hbm.at[src_v.at[1]], rows1, sem1)

        def body(i, carry2):
            g = i * 2
            for b, rows, sem in ((0, rows0, sem0), (1, rows1, sem1)):
                j = g + b
                pltpu.make_async_copy(h2_hbm.at[src_v.at[0]], rows, sem).wait()
                pltpu.sync_copy(rows, acc_sh.at[dst_v.at[j]], add=True)
                pltpu.async_copy(h2_hbm.at[src_v.at[j + 2]], rows, sem)
            return carry2

        lax.fori_loop(0, (BCH - 2) // 2, body, 0)
        pltpu.make_async_copy(h2_hbm.at[src_v.at[0]], rows0, sem0).wait()
        pltpu.sync_copy(rows0, acc_sh.at[dst_v.at[BCH - 2]], add=True)
        pltpu.make_async_copy(h2_hbm.at[src_v.at[0]], rows1, sem1).wait()
        pltpu.sync_copy(rows1, acc_sh.at[dst_v.at[BCH - 1]], add=True)
        return carry

    lax.fori_loop(0, nblk, block, 0)
    plsc.subcore_barrier()
    pltpu.sync_copy(acc_sh.at[pl.ds(s * ROWS_PT, ROWS_PT)],
                    aggp_hbm.at[c, pl.ds(s * ROWS_PT, ROWS_PT)])


_agg_kernel = functools.partial(
    pl.kernel,
    out_type=jax.ShapeDtypeStruct((NC, N_PAD, D), jnp.float32),
    mesh=_mesh,
    compiler_params=_sc_params,
    scratch_types=[
        pltpu.VMEM((BCH, CHUNK), jnp.int32),
        pltpu.VMEM((BCH, CHUNK), jnp.int32),
        pltpu.VMEM((CHUNK, D), jnp.float32),
        pltpu.VMEM((CHUNK, D), jnp.float32),
        pltpu.VMEM_SHARED((N_PAD, D), jnp.float32),
        pltpu.SemaphoreType.DMA,
        pltpu.SemaphoreType.DMA,
    ],
)(_agg_body)


_RBH = 2048


def _h2_body(x_ref, w_ref, degp_ref, h2_ref, dis_ref):
    i = pl.program_id(0)
    deg = jnp.sum(degp_ref[:, pl.ds(i * _RBH, _RBH)], axis=0) + 1.0
    dis = lax.rsqrt(deg)
    h = jnp.dot(x_ref[...], w_ref[...], preferred_element_type=jnp.float32)
    h2_ref[...] = h * dis[:, None]
    dis_ref[...] = jnp.broadcast_to(dis[:, None], (_RBH, 8))


def _h2_call(x_pad, W, degp):
    return pl.pallas_call(
        _h2_body,
        grid=(N_PAD // _RBH,),
        in_specs=[
            pl.BlockSpec((_RBH, D), lambda i: (i, 0)),
            pl.BlockSpec((D, D), lambda i: (0, 0)),
            pl.BlockSpec((NW, N_PAD), lambda i: (0, 0)),
        ],
        out_specs=[
            pl.BlockSpec((_RBH, D), lambda i: (i, 0)),
            pl.BlockSpec((_RBH, 8), lambda i: (i, 0)),
        ],
        out_shape=[
            jax.ShapeDtypeStruct((N_PAD, D), jnp.float32),
            jax.ShapeDtypeStruct((N_PAD, 8), jnp.float32),
        ],
    )(x_pad, W, degp)


_RBO = 2000


def _out_body(agg0_ref, agg1_ref, h2_ref, dis_ref, b_ref, out_ref):
    dis = dis_ref[...][:, 0]
    tot = (agg0_ref[0] + agg1_ref[0] + h2_ref[...]) * dis[:, None]
    out_ref[...] = jnp.maximum(tot + b_ref[...], 0.0)


def _out_call(aggp, h2, disb, b2d):
    nb = N // _RBO
    return pl.pallas_call(
        _out_body,
        grid=(nb,),
        in_specs=[
            pl.BlockSpec((1, _RBO, D), lambda i: (0, i, 0)),
            pl.BlockSpec((1, _RBO, D), lambda i: (1, i, 0)),
            pl.BlockSpec((_RBO, D), lambda i: (i, 0)),
            pl.BlockSpec((_RBO, 8), lambda i: (i, 0)),
            pl.BlockSpec((1, D), lambda i: (0, 0)),
        ],
        out_specs=pl.BlockSpec((_RBO, D), lambda i: (i, 0)),
        out_shape=jax.ShapeDtypeStruct((N, D), jnp.float32),
    )(aggp, aggp, h2, disb, b2d)


def kernel(x, edge_index, W, b):
    src = edge_index[0]
    dst = edge_index[1]
    npad = E_PAD - E
    src_pad = jnp.concatenate([src, jnp.full((npad,), N, jnp.int32)])
    pad_dst = jnp.arange(npad, dtype=jnp.int32) % N_PAD
    dst_pad = jnp.concatenate([dst, pad_dst])
    srcr = src_pad.reshape(TBLK, BCH, CHUNK)
    dstr = dst_pad.reshape(TBLK, BCH, CHUNK)
    x_pad = jnp.concatenate([x, jnp.zeros((N_PAD - N, D), jnp.float32)])
    zeros1 = jnp.zeros((N_PAD,), jnp.float32)
    zrows = jnp.zeros((ROWS_PT, D), jnp.float32)

    degp = _deg_kernel(dst, zeros1)
    h2, disb = _h2_call(x_pad, W, degp)
    aggp = _agg_kernel(h2, srcr, dstr, zrows)
    return _out_call(aggp, h2, disb, b.reshape(1, D))

# --- scband reference (transcript-rebuilt; emitter-appended) ---
"""Pipeline reference for scband-gcnlayer-73048803770582 (READ-ONLY COPY).

The authoritative reference and input builder live on the scoring server;
editing this copy changes nothing except your own understanding.
"""

import jax, jax.numpy as jnp
import numpy as np

N_NODES = 10000
N_EDGES = 320000
D = 128

def setup_inputs(seed: int = 0) -> dict:
    key = jax.random.key(seed)
    k1, k2, k3 = jax.random.split(key, 3)
    x = jax.random.normal(k1, (N_NODES, D), dtype=jnp.float32)
    edge_index = jax.random.randint(k2, (2, N_EDGES), 0, N_NODES, dtype=jnp.int32)
    # GCNConv params: linear weight (glorot, no bias on lin) + post-aggregation bias
    W = jax.random.normal(k3, (D, D), dtype=jnp.float32) * (1.0 / np.sqrt(D))
    b = jnp.zeros((D,), dtype=jnp.float32)
    return {"x": x, "edge_index": edge_index, "W": W, "b": b}

def reference(x, edge_index, W, b):
    # Faithful GCNConv (PyG defaults): add self-loops, symmetric normalization,
    # linear transform, scatter-add aggregation at dst, bias, then ReLU.
    # F.dropout is treated as identity (deterministic eval-mode reference).
    n = x.shape[0]
    src = edge_index[0]
    dst = edge_index[1]
    loop = jnp.arange(n, dtype=src.dtype)
    src = jnp.concatenate([src, loop])
    dst = jnp.concatenate([dst, loop])
    # degree computed at dst with unit edge weights (includes self-loops)
    deg = jnp.zeros((n,), dtype=x.dtype).at[dst].add(1.0)
    deg_inv_sqrt = jnp.where(deg > 0, 1.0 / jnp.sqrt(deg), 0.0)
    norm = deg_inv_sqrt[src] * deg_inv_sqrt[dst]
    h = x @ W
    msg = h[src] * norm[:, None]
    out = jnp.zeros((n, h.shape[1]), dtype=x.dtype).at[dst].add(msg)
    out = out + b
    return jax.nn.relu(out)

if __name__ == "__main__":
    import jax
    _d = setup_inputs()
    print(jax.jit(kernel)(*tuple(_d.values())))

</pallas_src>

<mosaic_0001>
#map = affine_map<(d0, d1) -> (0, 0)>
#map1 = affine_map<(d0, d1) -> (0, 0, 0)>
module attributes {stable_mosaic.version = 14 : i64} {
  func.func @_agg_body(%arg0: i32, %arg1: i32, %arg2: memref<10240x128xf32, #tpu.memory_space<hbm>>, %arg3: memref<160x16x128xi32, #tpu.memory_space<hbm>>, %arg4: memref<160x16x128xi32, #tpu.memory_space<hbm>>, %arg5: memref<640x128xf32, #tpu.memory_space<hbm>>, %arg6: memref<2x10240x128xf32, #tpu.memory_space<hbm>>, %arg7: memref<16x128xi32, #tpu.memory_space<vmem>>, %arg8: memref<16x128xi32, #tpu.memory_space<vmem>>, %arg9: memref<128x128xf32, #tpu.memory_space<vmem>>, %arg10: memref<128x128xf32, #tpu.memory_space<vmem>>, %arg11: memref<10240x128xf32, #tpu.memory_space<vmem_shared>>, %arg12: memref<!tpu.dma_semaphore, #tpu.memory_space<semaphore_mem>>, %arg13: memref<!tpu.dma_semaphore, #tpu.memory_space<semaphore_mem>>) attributes {dimension_semantics = [#tpu.dimension_semantics<core_parallel>, #tpu.dimension_semantics<subcore_parallel>], iteration_bounds = array<i64: 2, 16>, scalar_prefetch = 0 : i64, scratch_operands = 7 : i64, tpu.core_type = #tpu.core_type<sc_vector_subcore>, window_params = [{transform_indices = #map}, {transform_indices = #map1}, {transform_indices = #map1}, {transform_indices = #map}, {transform_indices = #map1}]} {
    %eq3A = arith.constant 0 : i32
    %eq3A_0 = arith.cmpi eq, %arg0, %eq3A : i32
    %mul3A = arith.constant 5 : i32
    %mul3A_1 = arith.muli %arg1, %mul3A : i32
    %mul3A_2 = arith.constant 5 : i32
    %mul3A_3 = arith.muli %arg1, %mul3A_2 : i32
    %add3A = arith.constant 80 : i32
    %add3A_4 = arith.addi %add3A, %mul3A_3 : i32
    %select_n3A = arith.select %eq3A_0, %mul3A_1, %add3A_4 : i32
    %eq3A_5 = arith.constant 0 : i32
    %eq3A_6 = arith.cmpi eq, %arg0, %eq3A_5 : i32
    %jit3A = arith.constant 5 : i32
    %jit3A_7 = arith.constant 5 : i32
    %select_n3A_8 = arith.select %eq3A_6, %jit3A, %jit3A_7 : i32
    %mul3A_9 = arith.constant 640 : i32
    %mul3A_10 = arith.muli %arg1, %mul3A_9 : i32
    "tpu.region"() ({
      %run_scoped3A = tpu.sem_alloc : memref<!tpu.dma_semaphore, #tpu.memory_space<semaphore_mem>>
      %dma_start3A = arith.constant 0 : i32
      %dma_start3A_25 = tpu.memref_slice %arg11[%mul3A_10, %dma_start3A] : memref<10240x128xf32, #tpu.memory_space<vmem_shared>> -> memref<640x128xf32, #tpu.memory_space<vmem_shared>>
      tpu.enqueue_dma source(%arg5 : memref<640x128xf32, #tpu.memory_space<hbm>>) target(%dma_start3A_25 : memref<640x128xf32, #tpu.memory_space<vmem_shared>>) target_semaphore(%run_scoped3A : memref<!tpu.dma_semaphore, #tpu.memory_space<semaphore_mem>>)
      %dma_wait3A = arith.constant 0 : i32
      %dma_wait3A_26 = tpu.memref_slice %arg11[%mul3A_10, %dma_wait3A] : memref<10240x128xf32, #tpu.memory_space<vmem_shared>> -> memref<640x128xf32, #tpu.memory_space<vmem_shared>>
      tpu.wait_dma2 semaphore(%run_scoped3A : memref<!tpu.dma_semaphore, #tpu.memory_space<semaphore_mem>>) src(%arg5 : memref<640x128xf32, #tpu.memory_space<hbm>>) dst(%dma_wait3A_26 : memref<640x128xf32, #tpu.memory_space<vmem_shared>>)
      tpu.yield
    }) : () -> ()
    %barrier3A = arith.constant 0 : index
    tpu.barrier barrier_id(%barrier3A)
    %while3A = arith.constant 0 : i32
    %while3A_11 = arith.constant 0 : i32
    %while3A_12 = arith.subi %select_n3A_8, %while3A_11 : i32
    %while3A_13 = arith.addi %while3A_11, %while3A_12 : i32
    %while3A_14 = arith.constant 1 : i32
    %while3A_15 = arith.divsi %while3A_12, %while3A_14 : i32
    %while3A_16 = arith.muli %while3A_15, %while3A_14 : i32
    %while3A_17 = arith.addi %while3A_11, %while3A_16 : i32
    %while3A_18 = arith.constant 1 : i32
    scf.for %while3A_25 = %while3A_11 to %while3A_17 step %while3A_18  : i32 {
      %add3A_26 = arith.addi %select_n3A, %while3A_25 : i32
      "tpu.region"() ({
        %run_scoped3A_60 = tpu.sem_alloc : memref<!tpu.dma_semaphore, #tpu.memory_space<semaphore_mem>>
        %dma_start3A_61 = arith.constant 0 : i32
        %dma_start3A_62 = arith.constant 0 : i32
        %dma_start3A_63 = tpu.memref_slice %arg3[%add3A_26, %dma_start3A_61, %dma_start3A_62] : memref<160x16x128xi32, #tpu.memory_space<hbm>> -> memref<1x16x128xi32, #tpu.memory_space<hbm>>
        %dma_start3A_64 = tpu.memref_squeeze %dma_start3A_63 : memref<1x16x128xi32, #tpu.memory_space<hbm>> -> memref<16x128xi32, #tpu.memory_space<hbm>>
        %dma_start3A_65 = arith.constant 0 : i32
        %dma_start3A_66 = arith.constant 0 : i32
        %dma_start3A_67 = tpu.memref_slice %arg3[%add3A_26, %dma_start3A_65, %dma_start3A_66] : memref<160x16x128xi32, #tpu.memory_space<hbm>> -> memref<1x16x128xi32, #tpu.memory_space<hbm>>
        %dma_start3A_68 = tpu.memref_squeeze %dma_start3A_67 : memref<1x16x128xi32, #tpu.memory_space<hbm>> -> memref<16x128xi32, #tpu.memory_space<hbm>>
        tpu.enqueue_dma source(%dma_start3A_68 : memref<16x128xi32, #tpu.memory_space<hbm>>) target(%arg7 : memref<16x128xi32, #tpu.memory_space<vmem>>) target_semaphore(%run_scoped3A_60 : memref<!tpu.dma_semaphore, #tpu.memory_space<semaphore_mem>>)
        %dma_wait3A_69 = arith.constant 0 : i32
        %dma_wait3A_70 = arith.constant 0 : i32
        %dma_wait3A_71 = tpu.memref_slice %arg3[%add3A_26, %dma_wait3A_69, %dma_wait3A_70] : memref<160x16x128xi32, #tpu.memory_space<hbm>> -> memref<1x16x128xi32, #tpu.memory_space<hbm>>
        %dma_wait3A_72 = tpu.memref_squeeze %dma_wait3A_71 : memref<1x16x128xi32, #tpu.memory_space<hbm>> -> memref<16x128xi32, #tpu.memory_space<hbm>>
        %dma_wait3A_73 = arith.constant 0 : i32
        %dma_wait3A_74 = arith.constant 0 : i32
        %dma_wait3A_75 = tpu.memref_slice %arg3[%add3A_26, %dma_wait3A_73, %dma_wait3A_74] : memref<160x16x128xi32, #tpu.memory_space<hbm>> -> memref<1x16x128xi32, #tpu.memory_space<hbm>>
        %dma_wait3A_76 = tpu.memref_squeeze %dma_wait3A_75 : memref<1x16x128xi32, #tpu.memory_space<hbm>> -> memref<16x128xi32, #tpu.memory_space<hbm>>
        tpu.wait_dma2 semaphore(%run_scoped3A_60 : memref<!tpu.dma_semaphore, #tpu.memory_space<semaphore_mem>>) src(%dma_wait3A_76 : memref<16x128xi32, #tpu.memory_space<hbm>>) dst(%arg7 : memref<16x128xi32, #tpu.memory_space<vmem>>)
        tpu.yield
      }) : () -> ()
      %add3A_27 = arith.addi %select_n3A, %while3A_25 : i32
      "tpu.region"() ({
        %run_scoped3A_60 = tpu.sem_alloc : memref<!tpu.dma_semaphore, #tpu.memory_space<semaphore_mem>>
        %dma_start3A_61 = arith.constant 0 : i32
        %dma_start3A_62 = arith.constant 0 : i32
        %dma_start3A_63 = tpu.memref_slice %arg4[%add3A_27, %dma_start3A_61, %dma_start3A_62] : memref<160x16x128xi32, #tpu.memory_space<hbm>> -> memref<1x16x128xi32, #tpu.memory_space<hbm>>
        %dma_start3A_64 = tpu.memref_squeeze %dma_start3A_63 : memref<1x16x128xi32, #tpu.memory_space<hbm>> -> memref<16x128xi32, #tpu.memory_space<hbm>>
        %dma_start3A_65 = arith.constant 0 : i32
        %dma_start3A_66 = arith.constant 0 : i32
        %dma_start3A_67 = tpu.memref_slice %arg4[%add3A_27, %dma_start3A_65, %dma_start3A_66] : memref<160x16x128xi32, #tpu.memory_space<hbm>> -> memref<1x16x128xi32, #tpu.memory_space<hbm>>
        %dma_start3A_68 = tpu.memref_squeeze %dma_start3A_67 : memref<1x16x128xi32, #tpu.memory_space<hbm>> -> memref<16x128xi32, #tpu.memory_space<hbm>>
        tpu.enqueue_dma source(%dma_start3A_68 : memref<16x128xi32, #tpu.memory_space<hbm>>) target(%arg8 : memref<16x128xi32, #tpu.memory_space<vmem>>) target_semaphore(%run_scoped3A_60 : memref<!tpu.dma_semaphore, #tpu.memory_space<semaphore_mem>>)
        %dma_wait3A_69 = arith.constant 0 : i32
        %dma_wait3A_70 = arith.constant 0 : i32
        %dma_wait3A_71 = tpu.memref_slice %arg4[%add3A_27, %dma_wait3A_69, %dma_wait3A_70] : memref<160x16x128xi32, #tpu.memory_space<hbm>> -> memref<1x16x128xi32, #tpu.memory_space<hbm>>
        %dma_wait3A_72 = tpu.memref_squeeze %dma_wait3A_71 : memref<1x16x128xi32, #tpu.memory_space<hbm>> -> memref<16x128xi32, #tpu.memory_space<hbm>>
        %dma_wait3A_73 = arith.constant 0 : i32
        %dma_wait3A_74 = arith.constant 0 : i32
        %dma_wait3A_75 = tpu.memref_slice %arg4[%add3A_27, %dma_wait3A_73, %dma_wait3A_74] : memref<160x16x128xi32, #tpu.memory_space<hbm>> -> memref<1x16x128xi32, #tpu.memory_space<hbm>>
        %dma_wait3A_76 = tpu.memref_squeeze %dma_wait3A_75 : memref<1x16x128xi32, #tpu.memory_space<hbm>> -> memref<16x128xi32, #tpu.memory_space<hbm>>
        tpu.wait_dma2 semaphore(%run_scoped3A_60 : memref<!tpu.dma_semaphore, #tpu.memory_space<semaphore_mem>>) src(%dma_wait3A_76 : memref<16x128xi32, #tpu.memory_space<hbm>>) dst(%arg8 : memref<16x128xi32, #tpu.memory_space<vmem>>)
        tpu.yield
      }) : () -> ()
      %dma_start3A = arith.constant 0 : i32
      %dma_start3A_28 = arith.constant 0 : i32
      %dma_start3A_29 = tpu.memref_slice %arg7[%dma_start3A, %dma_start3A_28] : memref<16x128xi32, #tpu.memory_space<vmem>> -> memref<1x128xi32, #tpu.memory_space<vmem>>
      %dma_start3A_30 = tpu.memref_squeeze %dma_start3A_29 : memref<1x128xi32, #tpu.memory_space<vmem>> -> memref<128xi32, #tpu.memory_space<vmem>>
      %dma_start3A_31 = arith.constant 0 : i32
      %dma_start3A_32 = arith.constant 0 : i32
      %dma_start3A_33 = tpu.memref_slice %arg2[%dma_start3A_31, %dma_start3A_32] : memref<10240x128xf32, #tpu.memory_space<hbm>> -> memref<10240x128xf32, #tpu.memory_space<hbm>>
      tpu.enqueue_indirect_dma source(%dma_start3A_33 : memref<10240x128xf32, #tpu.memory_space<hbm>>) target(%arg9 : memref<128x128xf32, #tpu.memory_space<vmem>>) offsets(%dma_start3A_30 : memref<128xi32, #tpu.memory_space<vmem>>) semaphore(%arg12 : memref<!tpu.dma_semaphore, #tpu.memory_space<semaphore_mem>>)
      %dma_start3A_34 = arith.constant 1 : i32
      %dma_start3A_35 = arith.constant 0 : i32
      %dma_start3A_36 = tpu.memref_slice %arg7[%dma_start3A_34, %dma_start3A_35] : memref<16x128xi32, #tpu.memory_space<vmem>> -> memref<1x128xi32, #tpu.memory_space<vmem>>
      %dma_start3A_37 = tpu.memref_squeeze %dma_start3A_36 : memref<1x128xi32, #tpu.memory_space<vmem>> -> memref<128xi32, #tpu.memory_space<vmem>>
      %dma_start3A_38 = arith.constant 0 : i32
      %dma_start3A_39 = arith.constant 0 : i32
      %dma_start3A_40 = tpu.memref_slice %arg2[%dma_start3A_38, %dma_start3A_39] : memref<10240x128xf32, #tpu.memory_space<hbm>> -> memref<10240x128xf32, #tpu.memory_space<hbm>>
      tpu.enqueue_indirect_dma source(%dma_start3A_40 : memref<10240x128xf32, #tpu.memory_space<hbm>>) target(%arg10 : memref<128x128xf32, #tpu.memory_space<vmem>>) offsets(%dma_start3A_37 : memref<128xi32, #tpu.memory_space<vmem>>) semaphore(%arg13 : memref<!tpu.dma_semaphore, #tpu.memory_space<semaphore_mem>>)
      %scan3A = arith.constant 0 : i32
      %scan3A_41 = arith.constant 0 : i32
      %scan3A_42 = arith.constant 7 : i32
      %scan3A_43 = arith.addi %scan3A_41, %scan3A_42 : i32
      %scan3A_44 = arith.constant 1 : i32
      scf.for %scan3A_60 = %scan3A_41 to %scan3A_43 step %scan3A_44  : i32 {
        %mul3A_61 = arith.constant 2 : i32
        %mul3A_62 = arith.muli %scan3A_60, %mul3A_61 : i32
        %add3A_63 = arith.constant 0 : i32
        %add3A_64 = arith.addi %mul3A_62, %add3A_63 : i32
        %dma_wait3A_65 = arith.constant 0 : i32
        %dma_wait3A_66 = arith.constant 0 : i32
        %dma_wait3A_67 = tpu.memref_slice %arg7[%dma_wait3A_65, %dma_wait3A_66] : memref<16x128xi32, #tpu.memory_space<vmem>> -> memref<1x128xi32, #tpu.memory_space<vmem>>
        %dma_wait3A_68 = tpu.memref_squeeze %dma_wait3A_67 : memref<1x128xi32, #tpu.memory_space<vmem>> -> memref<128xi32, #tpu.memory_space<vmem>>
        %dma_wait3A_69 = arith.constant 0 : i32
        %dma_wait3A_70 = arith.constant 0 : i32
        %dma_wait3A_71 = tpu.memref_slice %arg2[%dma_wait3A_69, %dma_wait3A_70] : memref<10240x128xf32, #tpu.memory_space<hbm>> -> memref<10240x128xf32, #tpu.memory_space<hbm>>
        tpu.wait_indirect_dma semaphore(%arg12 : memref<!tpu.dma_semaphore, #tpu.memory_space<semaphore_mem>>) src(%dma_wait3A_71 : memref<10240x128xf32, #tpu.memory_space<hbm>>) dst(%arg9 : memref<128x128xf32, #tpu.memory_space<vmem>>)
        "tpu.region"() ({
          %run_scoped3A_97 = tpu.sem_alloc : memref<!tpu.dma_semaphore, #tpu.memory_space<semaphore_mem>>
          %dma_start3A_98 = arith.constant 0 : i32
          %dma_start3A_99 = tpu.memref_slice %arg8[%add3A_64, %dma_start3A_98] : memref<16x128xi32, #tpu.memory_space<vmem>> -> memref<1x128xi32, #tpu.memory_space<vmem>>
          %dma_start3A_100 = tpu.memref_squeeze %dma_start3A_99 : memref<1x128xi32, #tpu.memory_space<vmem>> -> memref<128xi32, #tpu.memory_space<vmem>>
          %dma_start3A_101 = arith.constant 0 : i32
          %dma_start3A_102 = arith.constant 0 : i32
          %dma_start3A_103 = tpu.memref_slice %arg11[%dma_start3A_101, %dma_start3A_102] : memref<10240x128xf32, #tpu.memory_space<vmem_shared>> -> memref<10240x128xf32, #tpu.memory_space<vmem_shared>>
          tpu.enqueue_indirect_dma source(%arg9 : memref<128x128xf32, #tpu.memory_space<vmem>>) target(%dma_start3A_103 : memref<10240x128xf32, #tpu.memory_space<vmem_shared>>) offsets(%dma_start3A_100 : memref<128xi32, #tpu.memory_space<vmem>>) semaphore(%run_scoped3A_97 : memref<!tpu.dma_semaphore, #tpu.memory_space<semaphore_mem>>) {add = true}
          %dma_wait3A_104 = arith.constant 0 : i32
          %dma_wait3A_105 = tpu.memref_slice %arg8[%add3A_64, %dma_wait3A_104] : memref<16x128xi32, #tpu.memory_space<vmem>> -> memref<1x128xi32, #tpu.memory_space<vmem>>
          %dma_wait3A_106 = tpu.memref_squeeze %dma_wait3A_105 : memref<1x128xi32, #tpu.memory_space<vmem>> -> memref<128xi32, #tpu.memory_space<vmem>>
          %dma_wait3A_107 = arith.constant 0 : i32
          %dma_wait3A_108 = arith.constant 0 : i32
          %dma_wait3A_109 = tpu.memref_slice %arg11[%dma_wait3A_107, %dma_wait3A_108] : memref<10240x128xf32, #tpu.memory_space<vmem_shared>> -> memref<10240x128xf32, #tpu.memory_space<vmem_shared>>
          tpu.wait_indirect_dma semaphore(%run_scoped3A_97 : memref<!tpu.dma_semaphore, #tpu.memory_space<semaphore_mem>>) src(%arg9 : memref<128x128xf32, #tpu.memory_space<vmem>>) dst(%dma_wait3A_109 : memref<10240x128xf32, #tpu.memory_space<vmem_shared>>)
          tpu.yield
        }) : () -> ()
        %add3A_72 = arith.constant 2 : i32
        %add3A_73 = arith.addi %add3A_64, %add3A_72 : i32
        %dma_start3A_74 = arith.constant 0 : i32
        %dma_start3A_75 = tpu.memref_slice %arg7[%add3A_73, %dma_start3A_74] : memref<16x128xi32, #tpu.memory_space<vmem>> -> memref<1x128xi32, #tpu.memory_space<vmem>>
        %dma_start3A_76 = tpu.memref_squeeze %dma_start3A_75 : memref<1x128xi32, #tpu.memory_space<vmem>> -> memref<128xi32, #tpu.memory_space<vmem>>
        %dma_start3A_77 = arith.constant 0 : i32
        %dma_start3A_78 = arith.constant 0 : i32
        %dma_start3A_79 = tpu.memref_slice %arg2[%dma_start3A_77, %dma_start3A_78] : memref<10240x128xf32, #tpu.memory_space<hbm>> -> memref<10240x128xf32, #tpu.memory_space<hbm>>
        tpu.enqueue_indirect_dma source(%dma_start3A_79 : memref<10240x128xf32, #tpu.memory_space<hbm>>) target(%arg9 : memref<128x128xf32, #tpu.memory_space<vmem>>) offsets(%dma_start3A_76 : memref<128xi32, #tpu.memory_space<vmem>>) semaphore(%arg12 : memref<!tpu.dma_semaphore, #tpu.memory_space<semaphore_mem>>)
        %add3A_80 = arith.constant 1 : i32
        %add3A_81 = arith.addi %mul3A_62, %add3A_80 : i32
        %dma_wait3A_82 = arith.constant 0 : i32
        %dma_wait3A_83 = arith.constant 0 : i32
        %dma_wait3A_84 = tpu.memref_slice %arg7[%dma_wait3A_82, %dma_wait3A_83] : memref<16x128xi32, #tpu.memory_space<vmem>> -> memref<1x128xi32, #tpu.memory_space<vmem>>
        %dma_wait3A_85 = tpu.memref_squeeze %dma_wait3A_84 : memref<1x128xi32, #tpu.memory_space<vmem>> -> memref<128xi32, #tpu.memory_space<vmem>>
        %dma_wait3A_86 = arith.constant 0 : i32
        %dma_wait3A_87 = arith.constant 0 : i32
        %dma_wait3A_88 = tpu.memref_slice %arg2[%dma_wait3A_86, %dma_wait3A_87] : memref<10240x128xf32, #tpu.memory_space<hbm>> -> memref<10240x128xf32, #tpu.memory_space<hbm>>
        tpu.wait_indirect_dma semaphore(%arg13 : memref<!tpu.dma_semaphore, #tpu.memory_space<semaphore_mem>>) src(%dma_wait3A_88 : memref<10240x128xf32, #tpu.memory_space<hbm>>) dst(%arg10 : memref<128x128xf32, #tpu.memory_space<vmem>>)
        "tpu.region"() ({
          %run_scoped3A_97 = tpu.sem_alloc : memref<!tpu.dma_semaphore, #tpu.memory_space<semaphore_mem>>
          %dma_start3A_98 = arith.constant 0 : i32
          %dma_start3A_99 = tpu.memref_slice %arg8[%add3A_81, %dma_start3A_98] : memref<16x128xi32, #tpu.memory_space<vmem>> -> memref<1x128xi32, #tpu.memory_space<vmem>>
          %dma_start3A_100 = tpu.memref_squeeze %dma_start3A_99 : memref<1x128xi32, #tpu.memory_space<vmem>> -> memref<128xi32, #tpu.memory_space<vmem>>
          %dma_start3A_101 = arith.constant 0 : i32
          %dma_start3A_102 = arith.constant 0 : i32
          %dma_start3A_103 = tpu.memref_slice %arg11[%dma_start3A_101, %dma_start3A_102] : memref<10240x128xf32, #tpu.memory_space<vmem_shared>> -> memref<10240x128xf32, #tpu.memory_space<vmem_shared>>
          tpu.enqueue_indirect_dma source(%arg10 : memref<128x128xf32, #tpu.memory_space<vmem>>) target(%dma_start3A_103 : memref<10240x128xf32, #tpu.memory_space<vmem_shared>>) offsets(%dma_start3A_100 : memref<128xi32, #tpu.memory_space<vmem>>) semaphore(%run_scoped3A_97 : memref<!tpu.dma_semaphore, #tpu.memory_space<semaphore_mem>>) {add = true}
          %dma_wait3A_104 = arith.constant 0 : i32
          %dma_wait3A_105 = tpu.memref_slice %arg8[%add3A_81, %dma_wait3A_104] : memref<16x128xi32, #tpu.memory_space<vmem>> -> memref<1x128xi32, #tpu.memory_space<vmem>>
          %dma_wait3A_106 = tpu.memref_squeeze %dma_wait3A_105 : memref<1x128xi32, #tpu.memory_space<vmem>> -> memref<128xi32, #tpu.memory_space<vmem>>
          %dma_wait3A_107 = arith.constant 0 : i32
          %dma_wait3A_108 = arith.constant 0 : i32
          %dma_wait3A_109 = tpu.memref_slice %arg11[%dma_wait3A_107, %dma_wait3A_108] : memref<10240x128xf32, #tpu.memory_space<vmem_shared>> -> memref<10240x128xf32, #tpu.memory_space<vmem_shared>>
          tpu.wait_indirect_dma semaphore(%run_scoped3A_97 : memref<!tpu.dma_semaphore, #tpu.memory_space<semaphore_mem>>) src(%arg10 : memref<128x128xf32, #tpu.memory_space<vmem>>) dst(%dma_wait3A_109 : memref<10240x128xf32, #tpu.memory_space<vmem_shared>>)
          tpu.yield
        }) : () -> ()
        %add3A_89 = arith.constant 2 : i32
        %add3A_90 = arith.addi %add3A_81, %add3A_89 : i32
        %dma_start3A_91 = arith.constant 0 : i32
        %dma_start3A_92 = tpu.memref_slice %arg7[%add3A_90, %dma_start3A_91] : memref<16x128xi32, #tpu.memory_space<vmem>> -> memref<1x128xi32, #tpu.memory_space<vmem>>
        %dma_start3A_93 = tpu.memref_squeeze %dma_start3A_92 : memref<1x128xi32, #tpu.memory_space<vmem>> -> memref<128xi32, #tpu.memory_space<vmem>>
        %dma_start3A_94 = arith.constant 0 : i32
        %dma_start3A_95 = arith.constant 0 : i32
        %dma_start3A_96 = tpu.memref_slice %arg2[%dma_start3A_94, %dma_start3A_95] : memref<10240x128xf32, #tpu.memory_space<hbm>> -> memref<10240x128xf32, #tpu.memory_space<hbm>>
        tpu.enqueue_indirect_dma source(%dma_start3A_96 : memref<10240x128xf32, #tpu.memory_space<hbm>>) target(%arg10 : memref<128x128xf32, #tpu.memory_space<vmem>>) offsets(%dma_start3A_93 : memref<128xi32, #tpu.memory_space<vmem>>) semaphore(%arg13 : memref<!tpu.dma_semaphore, #tpu.memory_space<semaphore_mem>>)
      }
      %scan3A_45 = arith.constant 7 : i32
      %dma_wait3A = arith.constant 0 : i32
      %dma_wait3A_46 = arith.constant 0 : i32
      %dma_wait3A_47 = tpu.memref_slice %arg7[%dma_wait3A, %dma_wait3A_46] : memref<16x128xi32, #tpu.memory_space<vmem>> -> memref<1x128xi32, #tpu.memory_space<vmem>>
      %dma_wait3A_48 = tpu.memref_squeeze %dma_wait3A_47 : memref<1x128xi32, #tpu.memory_space<vmem>> -> memref<128xi32, #tpu.memory_space<vmem>>
      %dma_wait3A_49 = arith.constant 0 : i32
      %dma_wait3A_50 = arith.constant 0 : i32
      %dma_wait3A_51 = tpu.memref_slice %arg2[%dma_wait3A_49, %dma_wait3A_50] : memref<10240x128xf32, #tpu.memory_space<hbm>> -> memref<10240x128xf32, #tpu.memory_space<hbm>>
      tpu.wait_indirect_dma semaphore(%arg12 : memref<!tpu.dma_semaphore, #tpu.memory_space<semaphore_mem>>) src(%dma_wait3A_51 : memref<10240x128xf32, #tpu.memory_space<hbm>>) dst(%arg9 : memref<128x128xf32, #tpu.memory_space<vmem>>)
      %run_scoped3A = arith.constant 14 : i32
      "tpu.region"() ({
        %run_scoped3A_60 = tpu.sem_alloc : memref<!tpu.dma_semaphore, #tpu.memory_space<semaphore_mem>>
        %dma_start3A_61 = arith.constant 0 : i32
        %dma_start3A_62 = tpu.memref_slice %arg8[%run_scoped3A, %dma_start3A_61] : memref<16x128xi32, #tpu.memory_space<vmem>> -> memref<1x128xi32, #tpu.memory_space<vmem>>
        %dma_start3A_63 = tpu.memref_squeeze %dma_start3A_62 : memref<1x128xi32, #tpu.memory_space<vmem>> -> memref<128xi32, #tpu.memory_space<vmem>>
        %dma_start3A_64 = arith.constant 0 : i32
        %dma_start3A_65 = arith.constant 0 : i32
        %dma_start3A_66 = tpu.memref_slice %arg11[%dma_start3A_64, %dma_start3A_65] : memref<10240x128xf32, #tpu.memory_space<vmem_shared>> -> memref<10240x128xf32, #tpu.memory_space<vmem_shared>>
        tpu.enqueue_indirect_dma source(%arg9 : memref<128x128xf32, #tpu.memory_space<vmem>>) target(%dma_start3A_66 : memref<10240x128xf32, #tpu.memory_space<vmem_shared>>) offsets(%dma_start3A_63 : memref<128xi32, #tpu.memory_space<vmem>>) semaphore(%run_scoped3A_60 : memref<!tpu.dma_semaphore, #tpu.memory_space<semaphore_mem>>) {add = true}
        %dma_wait3A_67 = arith.constant 0 : i32
        %dma_wait3A_68 = tpu.memref_slice %arg8[%run_scoped3A, %dma_wait3A_67] : memref<16x128xi32, #tpu.memory_space<vmem>> -> memref<1x128xi32, #tpu.memory_space<vmem>>
        %dma_wait3A_69 = tpu.memref_squeeze %dma_wait3A_68 : memref<1x128xi32, #tpu.memory_space<vmem>> -> memref<128xi32, #tpu.memory_space<vmem>>
        %dma_wait3A_70 = arith.constant 0 : i32
        %dma_wait3A_71 = arith.constant 0 : i32
        %dma_wait3A_72 = tpu.memref_slice %arg11[%dma_wait3A_70, %dma_wait3A_71] : memref<10240x128xf32, #tpu.memory_space<vmem_shared>> -> memref<10240x128xf32, #tpu.memory_space<vmem_shared>>
        tpu.wait_indirect_dma semaphore(%run_scoped3A_60 : memref<!tpu.dma_semaphore, #tpu.memory_space<semaphore_mem>>) src(%arg9 : memref<128x128xf32, #tpu.memory_space<vmem>>) dst(%dma_wait3A_72 : memref<10240x128xf32, #tpu.memory_space<vmem_shared>>)
        tpu.yield
      }) : () -> ()
      %dma_wait3A_52 = arith.constant 0 : i32
      %dma_wait3A_53 = arith.constant 0 : i32
      %dma_wait3A_54 = tpu.memref_slice %arg7[%dma_wait3A_52, %dma_wait3A_53] : memref<16x128xi32, #tpu.memory_space<vmem>> -> memref<1x128xi32, #tpu.memory_space<vmem>>
      %dma_wait3A_55 = tpu.memref_squeeze %dma_wait3A_54 : memref<1x128xi32, #tpu.memory_space<vmem>> -> memref<128xi32, #tpu.memory_space<vmem>>
      %dma_wait3A_56 = arith.constant 0 : i32
      %dma_wait3A_57 = arith.constant 0 : i32
      %dma_wait3A_58 = tpu.memref_slice %arg2[%dma_wait3A_56, %dma_wait3A_57] : memref<10240x128xf32, #tpu.memory_space<hbm>> -> memref<10240x128xf32, #tpu.memory_space<hbm>>
      tpu.wait_indirect_dma semaphore(%arg13 : memref<!tpu.dma_semaphore, #tpu.memory_space<semaphore_mem>>) src(%dma_wait3A_58 : memref<10240x128xf32, #tpu.memory_space<hbm>>) dst(%arg10 : memref<128x128xf32, #tpu.memory_space<vmem>>)
      %run_scoped3A_59 = arith.constant 15 : i32
      "tpu.region"() ({
        %run_scoped3A_60 = tpu.sem_alloc : memref<!tpu.dma_semaphore, #tpu.memory_space<semaphore_mem>>
        %dma_start3A_61 = arith.constant 0 : i32
        %dma_start3A_62 = tpu.memref_slice %arg8[%run_scoped3A_59, %dma_start3A_61] : memref<16x128xi32, #tpu.memory_space<vmem>> -> memref<1x128xi32, #tpu.memory_space<vmem>>
        %dma_start3A_63 = tpu.memref_squeeze %dma_start3A_62 : memref<1x128xi32, #tpu.memory_space<vmem>> -> memref<128xi32, #tpu.memory_space<vmem>>
        %dma_start3A_64 = arith.constant 0 : i32
        %dma_start3A_65 = arith.constant 0 : i32
        %dma_start3A_66 = tpu.memref_slice %arg11[%dma_start3A_64, %dma_start3A_65] : memref<10240x128xf32, #tpu.memory_space<vmem_shared>> -> memref<10240x128xf32, #tpu.memory_space<vmem_shared>>
        tpu.enqueue_indirect_dma source(%arg10 : memref<128x128xf32, #tpu.memory_space<vmem>>) target(%dma_start3A_66 : memref<10240x128xf32, #tpu.memory_space<vmem_shared>>) offsets(%dma_start3A_63 : memref<128xi32, #tpu.memory_space<vmem>>) semaphore(%run_scoped3A_60 : memref<!tpu.dma_semaphore, #tpu.memory_space<semaphore_mem>>) {add = true}
        %dma_wait3A_67 = arith.constant 0 : i32
        %dma_wait3A_68 = tpu.memref_slice %arg8[%run_scoped3A_59, %dma_wait3A_67] : memref<16x128xi32, #tpu.memory_space<vmem>> -> memref<1x128xi32, #tpu.memory_space<vmem>>
        %dma_wait3A_69 = tpu.memref_squeeze %dma_wait3A_68 : memref<1x128xi32, #tpu.memory_space<vmem>> -> memref<128xi32, #tpu.memory_space<vmem>>
        %dma_wait3A_70 = arith.constant 0 : i32
        %dma_wait3A_71 = arith.constant 0 : i32
        %dma_wait3A_72 = tpu.memref_slice %arg11[%dma_wait3A_70, %dma_wait3A_71] : memref<10240x128xf32, #tpu.memory_space<vmem_shared>> -> memref<10240x128xf32, #tpu.memory_space<vmem_shared>>
        tpu.wait_indirect_dma semaphore(%run_scoped3A_60 : memref<!tpu.dma_semaphore, #tpu.memory_space<semaphore_mem>>) src(%arg10 : memref<128x128xf32, #tpu.memory_space<vmem>>) dst(%dma_wait3A_72 : memref<10240x128xf32, #tpu.memory_space<vmem_shared>>)
        tpu.yield
      }) : () -> ()
    }
    %while3A_19 = arith.constant 1 : i32
    scf.for %while3A_25 = %while3A_17 to %while3A_13 step %while3A_19  : i32 {
      %add3A_26 = arith.addi %select_n3A, %while3A_25 : i32
      "tpu.region"() ({
        %run_scoped3A_60 = tpu.sem_alloc : memref<!tpu.dma_semaphore, #tpu.memory_space<semaphore_mem>>
        %dma_start3A_61 = arith.constant 0 : i32
        %dma_start3A_62 = arith.constant 0 : i32
        %dma_start3A_63 = tpu.memref_slice %arg3[%add3A_26, %dma_start3A_61, %dma_start3A_62] : memref<160x16x128xi32, #tpu.memory_space<hbm>> -> memref<1x16x128xi32, #tpu.memory_space<hbm>>
        %dma_start3A_64 = tpu.memref_squeeze %dma_start3A_63 : memref<1x16x128xi32, #tpu.memory_space<hbm>> -> memref<16x128xi32, #tpu.memory_space<hbm>>
        %dma_start3A_65 = arith.constant 0 : i32
        %dma_start3A_66 = arith.constant 0 : i32
        %dma_start3A_67 = tpu.memref_slice %arg3[%add3A_26, %dma_start3A_65, %dma_start3A_66] : memref<160x16x128xi32, #tpu.memory_space<hbm>> -> memref<1x16x128xi32, #tpu.memory_space<hbm>>
        %dma_start3A_68 = tpu.memref_squeeze %dma_start3A_67 : memref<1x16x128xi32, #tpu.memory_space<hbm>> -> memref<16x128xi32, #tpu.memory_space<hbm>>
        tpu.enqueue_dma source(%dma_start3A_68 : memref<16x128xi32, #tpu.memory_space<hbm>>) target(%arg7 : memref<16x128xi32, #tpu.memory_space<vmem>>) target_semaphore(%run_scoped3A_60 : memref<!tpu.dma_semaphore, #tpu.memory_space<semaphore_mem>>)
        %dma_wait3A_69 = arith.constant 0 : i32
        %dma_wait3A_70 = arith.constant 0 : i32
        %dma_wait3A_71 = tpu.memref_slice %arg3[%add3A_26, %dma_wait3A_69, %dma_wait3A_70] : memref<160x16x128xi32, #tpu.memory_space<hbm>> -> memref<1x16x128xi32, #tpu.memory_space<hbm>>
        %dma_wait3A_72 = tpu.memref_squeeze %dma_wait3A_71 : memref<1x16x128xi32, #tpu.memory_space<hbm>> -> memref<16x128xi32, #tpu.memory_space<hbm>>
        %dma_wait3A_73 = arith.constant 0 : i32
        %dma_wait3A_74 = arith.constant 0 : i32
        %dma_wait3A_75 = tpu.memref_slice %arg3[%add3A_26, %dma_wait3A_73, %dma_wait3A_74] : memref<160x16x128xi32, #tpu.memory_space<hbm>> -> memref<1x16x128xi32, #tpu.memory_space<hbm>>
        %dma_wait3A_76 = tpu.memref_squeeze %dma_wait3A_75 : memref<1x16x128xi32, #tpu.memory_space<hbm>> -> memref<16x128xi32, #tpu.memory_space<hbm>>
        tpu.wait_dma2 semaphore(%run_scoped3A_60 : memref<!tpu.dma_semaphore, #tpu.memory_space<semaphore_mem>>) src(%dma_wait3A_76 : memref<16x128xi32, #tpu.memory_space<hbm>>) dst(%arg7 : memref<16x128xi32, #tpu.memory_space<vmem>>)
        tpu.yield
      }) : () -> ()
      %add3A_27 = arith.addi %select_n3A, %while3A_25 : i32
      "tpu.region"() ({
        %run_scoped3A_60 = tpu.sem_alloc : memref<!tpu.dma_semaphore, #tpu.memory_space<semaphore_mem>>
        %dma_start3A_61 = arith.constant 0 : i32
        %dma_start3A_62 = arith.constant 0 : i32
        %dma_start3A_63 = tpu.memref_slice %arg4[%add3A_27, %dma_start3A_61, %dma_start3A_62] : memref<160x16x128xi32, #tpu.memory_space<hbm>> -> memref<1x16x128xi32, #tpu.memory_space<hbm>>
        %dma_start3A_64 = tpu.memref_squeeze %dma_start3A_63 : memref<1x16x128xi32, #tpu.memory_space<hbm>> -> memref<16x128xi32, #tpu.memory_space<hbm>>
        %dma_start3A_65 = arith.constant 0 : i32
        %dma_start3A_66 = arith.constant 0 : i32
        %dma_start3A_67 = tpu.memref_slice %arg4[%add3A_27, %dma_start3A_65, %dma_start3A_66] : memref<160x16x128xi32, #tpu.memory_space<hbm>> -> memref<1x16x128xi32, #tpu.memory_space<hbm>>
        %dma_start3A_68 = tpu.memref_squeeze %dma_start3A_67 : memref<1x16x128xi32, #tpu.memory_space<hbm>> -> memref<16x128xi32, #tpu.memory_space<hbm>>
        tpu.enqueue_dma source(%dma_start3A_68 : memref<16x128xi32, #tpu.memory_space<hbm>>) target(%arg8 : memref<16x128xi32, #tpu.memory_space<vmem>>) target_semaphore(%run_scoped3A_60 : memref<!tpu.dma_semaphore, #tpu.memory_space<semaphore_mem>>)
        %dma_wait3A_69 = arith.constant 0 : i32
        %dma_wait3A_70 = arith.constant 0 : i32
        %dma_wait3A_71 = tpu.memref_slice %arg4[%add3A_27, %dma_wait3A_69, %dma_wait3A_70] : memref<160x16x128xi32, #tpu.memory_space<hbm>> -> memref<1x16x128xi32, #tpu.memory_space<hbm>>
        %dma_wait3A_72 = tpu.memref_squeeze %dma_wait3A_71 : memref<1x16x128xi32, #tpu.memory_space<hbm>> -> memref<16x128xi32, #tpu.memory_space<hbm>>
        %dma_wait3A_73 = arith.constant 0 : i32
        %dma_wait3A_74 = arith.constant 0 : i32
        %dma_wait3A_75 = tpu.memref_slice %arg4[%add3A_27, %dma_wait3A_73, %dma_wait3A_74] : memref<160x16x128xi32, #tpu.memory_space<hbm>> -> memref<1x16x128xi32, #tpu.memory_space<hbm>>
        %dma_wait3A_76 = tpu.memref_squeeze %dma_wait3A_75 : memref<1x16x128xi32, #tpu.memory_space<hbm>> -> memref<16x128xi32, #tpu.memory_space<hbm>>
        tpu.wait_dma2 semaphore(%run_scoped3A_60 : memref<!tpu.dma_semaphore, #tpu.memory_space<semaphore_mem>>) src(%dma_wait3A_76 : memref<16x128xi32, #tpu.memory_space<hbm>>) dst(%arg8 : memref<16x128xi32, #tpu.memory_space<vmem>>)
        tpu.yield
      }) : () -> ()
      %dma_start3A = arith.constant 0 : i32
      %dma_start3A_28 = arith.constant 0 : i32
      %dma_start3A_29 = tpu.memref_slice %arg7[%dma_start3A, %dma_start3A_28] : memref<16x128xi32, #tpu.memory_space<vmem>> -> memref<1x128xi32, #tpu.memory_space<vmem>>
      %dma_start3A_30 = tpu.memref_squeeze %dma_start3A_29 : memref<1x128xi32, #tpu.memory_space<vmem>> -> memref<128xi32, #tpu.memory_space<vmem>>
      %dma_start3A_31 = arith.constant 0 : i32
      %dma_start3A_32 = arith.constant 0 : i32
      %dma_start3A_33 = tpu.memref_slice %arg2[%dma_start3A_31, %dma_start3A_32] : memref<10240x128xf32, #tpu.memory_space<hbm>> -> memref<10240x128xf32, #tpu.memory_space<hbm>>
      tpu.enqueue_indirect_dma source(%dma_start3A_33 : memref<10240x128xf32, #tpu.memory_space<hbm>>) target(%arg9 : memref<128x128xf32, #tpu.memory_space<vmem>>) offsets(%dma_start3A_30 : memref<128xi32, #tpu.memory_space<vmem>>) semaphore(%arg12 : memref<!tpu.dma_semaphore, #tpu.memory_space<semaphore_mem>>)
      %dma_start3A_34 = arith.constant 1 : i32
      %dma_start3A_35 = arith.constant 0 : i32
      %dma_start3A_36 = tpu.memref_slice %arg7[%dma_start3A_34, %dma_start3A_35] : memref<16x128xi32, #tpu.memory_space<vmem>> -> memref<1x128xi32, #tpu.memory_space<vmem>>
      %dma_start3A_37 = tpu.memref_squeeze %dma_start3A_36 : memref<1x128xi32, #tpu.memory_space<vmem>> -> memref<128xi32, #tpu.memory_space<vmem>>
      %dma_start3A_38 = arith.constant 0 : i32
      %dma_start3A_39 = arith.constant 0 : i32
      %dma_start3A_40 = tpu.memref_slice %arg2[%dma_start3A_38, %dma_start3A_39] : memref<10240x128xf32, #tpu.memory_space<hbm>> -> memref<10240x128xf32, #tpu.memory_space<hbm>>
      tpu.enqueue_indirect_dma source(%dma_start3A_40 : memref<10240x128xf32, #tpu.memory_space<hbm>>) target(%arg10 : memref<128x128xf32, #tpu.memory_space<vmem>>) offsets(%dma_start3A_37 : memref<128xi32, #tpu.memory_space<vmem>>) semaphore(%arg13 : memref<!tpu.dma_semaphore, #tpu.memory_space<semaphore_mem>>)
      %scan3A = arith.constant 0 : i32
      %scan3A_41 = arith.constant 0 : i32
      %scan3A_42 = arith.constant 7 : i32
      %scan3A_43 = arith.addi %scan3A_41, %scan3A_42 : i32
      %scan3A_44 = arith.constant 1 : i32
      scf.for %scan3A_60 = %scan3A_41 to %scan3A_43 step %scan3A_44  : i32 {
        %mul3A_61 = arith.constant 2 : i32
        %mul3A_62 = arith.muli %scan3A_60, %mul3A_61 : i32
        %add3A_63 = arith.constant 0 : i32
        %add3A_64 = arith.addi %mul3A_62, %add3A_63 : i32
        %dma_wait3A_65 = arith.constant 0 : i32
        %dma_wait3A_66 = arith.constant 0 : i32
        %dma_wait3A_67 = tpu.memref_slice %arg7[%dma_wait3A_65, %dma_wait3A_66] : memref<16x128xi32, #tpu.memory_space<vmem>> -> memref<1x128xi32, #tpu.memory_space<vmem>>
        %dma_wait3A_68 = tpu.memref_squeeze %dma_wait3A_67 : memref<1x128xi32, #tpu.memory_space<vmem>> -> memref<128xi32, #tpu.memory_space<vmem>>
        %dma_wait3A_69 = arith.constant 0 : i32
        %dma_wait3A_70 = arith.constant 0 : i32
        %dma_wait3A_71 = tpu.memref_slice %arg2[%dma_wait3A_69, %dma_wait3A_70] : memref<10240x128xf32, #tpu.memory_space<hbm>> -> memref<10240x128xf32, #tpu.memory_space<hbm>>
        tpu.wait_indirect_dma semaphore(%arg12 : memref<!tpu.dma_semaphore, #tpu.memory_space<semaphore_mem>>) src(%dma_wait3A_71 : memref<10240x128xf32, #tpu.memory_space<hbm>>) dst(%arg9 : memref<128x128xf32, #tpu.memory_space<vmem>>)
        "tpu.region"() ({
          %run_scoped3A_97 = tpu.sem_alloc : memref<!tpu.dma_semaphore, #tpu.memory_space<semaphore_mem>>
          %dma_start3A_98 = arith.constant 0 : i32
          %dma_start3A_99 = tpu.memref_slice %arg8[%add3A_64, %dma_start3A_98] : memref<16x128xi32, #tpu.memory_space<vmem>> -> memref<1x128xi32, #tpu.memory_space<vmem>>
          %dma_start3A_100 = tpu.memref_squeeze %dma_start3A_99 : memref<1x128xi32, #tpu.memory_space<vmem>> -> memref<128xi32, #tpu.memory_space<vmem>>
          %dma_start3A_101 = arith.constant 0 : i32
          %dma_start3A_102 = arith.constant 0 : i32
          %dma_start3A_103 = tpu.memref_slice %arg11[%dma_start3A_101, %dma_start3A_102] : memref<10240x128xf32, #tpu.memory_space<vmem_shared>> -> memref<10240x128xf32, #tpu.memory_space<vmem_shared>>
          tpu.enqueue_indirect_dma source(%arg9 : memref<128x128xf32, #tpu.memory_space<vmem>>) target(%dma_start3A_103 : memref<10240x128xf32, #tpu.memory_space<vmem_shared>>) offsets(%dma_start3A_100 : memref<128xi32, #tpu.memory_space<vmem>>) semaphore(%run_scoped3A_97 : memref<!tpu.dma_semaphore, #tpu.memory_space<semaphore_mem>>) {add = true}
          %dma_wait3A_104 = arith.constant 0 : i32
          %dma_wait3A_105 = tpu.memref_slice %arg8[%add3A_64, %dma_wait3A_104] : memref<16x128xi32, #tpu.memory_space<vmem>> -> memref<1x128xi32, #tpu.memory_space<vmem>>
          %dma_wait3A_106 = tpu.memref_squeeze %dma_wait3A_105 : memref<1x128xi32, #tpu.memory_space<vmem>> -> memref<128xi32, #tpu.memory_space<vmem>>
          %dma_wait3A_107 = arith.constant 0 : i32
          %dma_wait3A_108 = arith.constant 0 : i32
          %dma_wait3A_109 = tpu.memref_slice %arg11[%dma_wait3A_107, %dma_wait3A_108] : memref<10240x128xf32, #tpu.memory_space<vmem_shared>> -> memref<10240x128xf32, #tpu.memory_space<vmem_shared>>
          tpu.wait_indirect_dma semaphore(%run_scoped3A_97 : memref<!tpu.dma_semaphore, #tpu.memory_space<semaphore_mem>>) src(%arg9 : memref<128x128xf32, #tpu.memory_space<vmem>>) dst(%dma_wait3A_109 : memref<10240x128xf32, #tpu.memory_space<vmem_shared>>)
          tpu.yield
        }) : () -> ()
        %add3A_72 = arith.constant 2 : i32
        %add3A_73 = arith.addi %add3A_64, %add3A_72 : i32
        %dma_start3A_74 = arith.constant 0 : i32
        %dma_start3A_75 = tpu.memref_slice %arg7[%add3A_73, %dma_start3A_74] : memref<16x128xi32, #tpu.memory_space<vmem>> -> memref<1x128xi32, #tpu.memory_space<vmem>>
        %dma_start3A_76 = tpu.memref_squeeze %dma_start3A_75 : memref<1x128xi32, #tpu.memory_space<vmem>> -> memref<128xi32, #tpu.memory_space<vmem>>
        %dma_start3A_77 = arith.constant 0 : i32
        %dma_start3A_78 = arith.constant 0 : i32
        %dma_start3A_79 = tpu.memref_slice %arg2[%dma_start3A_77, %dma_start3A_78] : memref<10240x128xf32, #tpu.memory_space<hbm>> -> memref<10240x128xf32, #tpu.memory_space<hbm>>
        tpu.enqueue_indirect_dma source(%dma_start3A_79 : memref<10240x128xf32, #tpu.memory_space<hbm>>) target(%arg9 : memref<128x128xf32, #tpu.memory_space<vmem>>) offsets(%dma_start3A_76 : memref<128xi32, #tpu.memory_space<vmem>>) semaphore(%arg12 : memref<!tpu.dma_semaphore, #tpu.memory_space<semaphore_mem>>)
        %add3A_80 = arith.constant 1 : i32
        %add3A_81 = arith.addi %mul3A_62, %add3A_80 : i32
        %dma_wait3A_82 = arith.constant 0 : i32
        %dma_wait3A_83 = arith.constant 0 : i32
        %dma_wait3A_84 = tpu.memref_slice %arg7[%dma_wait3A_82, %dma_wait3A_83] : memref<16x128xi32, #tpu.memory_space<vmem>> -> memref<1x128xi32, #tpu.memory_space<vmem>>
        %dma_wait3A_85 = tpu.memref_squeeze %dma_wait3A_84 : memref<1x128xi32, #tpu.memory_space<vmem>> -> memref<128xi32, #tpu.memory_space<vmem>>
        %dma_wait3A_86 = arith.constant 0 : i32
        %dma_wait3A_87 = arith.constant 0 : i32
        %dma_wait3A_88 = tpu.memref_slice %arg2[%dma_wait3A_86, %dma_wait3A_87] : memref<10240x128xf32, #tpu.memory_space<hbm>> -> memref<10240x128xf32, #tpu.memory_space<hbm>>
        tpu.wait_indirect_dma semaphore(%arg13 : memref<!tpu.dma_semaphore, #tpu.memory_space<semaphore_mem>>) src(%dma_wait3A_88 : memref<10240x128xf32, #tpu.memory_space<hbm>>) dst(%arg10 : memref<128x128xf32, #tpu.memory_space<vmem>>)
        "tpu.region"() ({
          %run_scoped3A_97 = tpu.sem_alloc : memref<!tpu.dma_semaphore, #tpu.memory_space<semaphore_mem>>
          %dma_start3A_98 = arith.constant 0 : i32
          %dma_start3A_99 = tpu.memref_slice %arg8[%add3A_81, %dma_start3A_98] : memref<16x128xi32, #tpu.memory_space<vmem>> -> memref<1x128xi32, #tpu.memory_space<vmem>>
          %dma_start3A_100 = tpu.memref_squeeze %dma_start3A_99 : memref<1x128xi32, #tpu.memory_space<vmem>> -> memref<128xi32, #tpu.memory_space<vmem>>
          %dma_start3A_101 = arith.constant 0 : i32
          %dma_start3A_102 = arith.constant 0 : i32
          %dma_start3A_103 = tpu.memref_slice %arg11[%dma_start3A_101, %dma_start3A_102] : memref<10240x128xf32, #tpu.memory_space<vmem_shared>> -> memref<10240x128xf32, #tpu.memory_space<vmem_shared>>
          tpu.enqueue_indirect_dma source(%arg10 : memref<128x128xf32, #tpu.memory_space<vmem>>) target(%dma_start3A_103 : memref<10240x128xf32, #tpu.memory_space<vmem_shared>>) offsets(%dma_start3A_100 : memref<128xi32, #tpu.memory_space<vmem>>) semaphore(%run_scoped3A_97 : memref<!tpu.dma_semaphore, #tpu.memory_space<semaphore_mem>>) {add = true}
          %dma_wait3A_104 = arith.constant 0 : i32
          %dma_wait3A_105 = tpu.memref_slice %arg8[%add3A_81, %dma_wait3A_104] : memref<16x128xi32, #tpu.memory_space<vmem>> -> memref<1x128xi32, #tpu.memory_space<vmem>>
          %dma_wait3A_106 = tpu.memref_squeeze %dma_wait3A_105 : memref<1x128xi32, #tpu.memory_space<vmem>> -> memref<128xi32, #tpu.memory_space<vmem>>
          %dma_wait3A_107 = arith.constant 0 : i32
          %dma_wait3A_108 = arith.constant 0 : i32
          %dma_wait3A_109 = tpu.memref_slice %arg11[%dma_wait3A_107, %dma_wait3A_108] : memref<10240x128xf32, #tpu.memory_space<vmem_shared>> -> memref<10240x128xf32, #tpu.memory_space<vmem_shared>>
          tpu.wait_indirect_dma semaphore(%run_scoped3A_97 : memref<!tpu.dma_semaphore, #tpu.memory_space<semaphore_mem>>) src(%arg10 : memref<128x128xf32, #tpu.memory_space<vmem>>) dst(%dma_wait3A_109 : memref<10240x128xf32, #tpu.memory_space<vmem_shared>>)
          tpu.yield
        }) : () -> ()
        %add3A_89 = arith.constant 2 : i32
        %add3A_90 = arith.addi %add3A_81, %add3A_89 : i32
        %dma_start3A_91 = arith.constant 0 : i32
        %dma_start3A_92 = tpu.memref_slice %arg7[%add3A_90, %dma_start3A_91] : memref<16x128xi32, #tpu.memory_space<vmem>> -> memref<1x128xi32, #tpu.memory_space<vmem>>
        %dma_start3A_93 = tpu.memref_squeeze %dma_start3A_92 : memref<1x128xi32, #tpu.memory_space<vmem>> -> memref<128xi32, #tpu.memory_space<vmem>>
        %dma_start3A_94 = arith.constant 0 : i32
        %dma_start3A_95 = arith.constant 0 : i32
        %dma_start3A_96 = tpu.memref_slice %arg2[%dma_start3A_94, %dma_start3A_95] : memref<10240x128xf32, #tpu.memory_space<hbm>> -> memref<10240x128xf32, #tpu.memory_space<hbm>>
        tpu.enqueue_indirect_dma source(%dma_start3A_96 : memref<10240x128xf32, #tpu.memory_space<hbm>>) target(%arg10 : memref<128x128xf32, #tpu.memory_space<vmem>>) offsets(%dma_start3A_93 : memref<128xi32, #tpu.memory_space<vmem>>) semaphore(%arg13 : memref<!tpu.dma_semaphore, #tpu.memory_space<semaphore_mem>>)
      }
      %scan3A_45 = arith.constant 7 : i32
      %dma_wait3A = arith.constant 0 : i32
      %dma_wait3A_46 = arith.constant 0 : i32
      %dma_wait3A_47 = tpu.memref_slice %arg7[%dma_wait3A, %dma_wait3A_46] : memref<16x128xi32, #tpu.memory_space<vmem>> -> memref<1x128xi32, #tpu.memory_space<vmem>>
      %dma_wait3A_48 = tpu.memref_squeeze %dma_wait3A_47 : memref<1x128xi32, #tpu.memory_space<vmem>> -> memref<128xi32, #tpu.memory_space<vmem>>
      %dma_wait3A_49 = arith.constant 0 : i32
      %dma_wait3A_50 = arith.constant 0 : i32
      %dma_wait3A_51 = tpu.memref_slice %arg2[%dma_wait3A_49, %dma_wait3A_50] : memref<10240x128xf32, #tpu.memory_space<hbm>> -> memref<10240x128xf32, #tpu.memory_space<hbm>>
      tpu.wait_indirect_dma semaphore(%arg12 : memref<!tpu.dma_semaphore, #tpu.memory_space<semaphore_mem>>) src(%dma_wait3A_51 : memref<10240x128xf32, #tpu.memory_space<hbm>>) dst(%arg9 : memref<128x128xf32, #tpu.memory_space<vmem>>)
      %run_scoped3A = arith.constant 14 : i32
      "tpu.region"() ({
        %run_scoped3A_60 = tpu.sem_alloc : memref<!tpu.dma_semaphore, #tpu.memory_space<semaphore_mem>>
        %dma_start3A_61 = arith.constant 0 : i32
        %dma_start3A_62 = tpu.memref_slice %arg8[%run_scoped3A, %dma_start3A_61] : memref<16x128xi32, #tpu.memory_space<vmem>> -> memref<1x128xi32, #tpu.memory_space<vmem>>
        %dma_start3A_63 = tpu.memref_squeeze %dma_start3A_62 : memref<1x128xi32, #tpu.memory_space<vmem>> -> memref<128xi32, #tpu.memory_space<vmem>>
        %dma_start3A_64 = arith.constant 0 : i32
        %dma_start3A_65 = arith.constant 0 : i32
        %dma_start3A_66 = tpu.memref_slice %arg11[%dma_start3A_64, %dma_start3A_65] : memref<10240x128xf32, #tpu.memory_space<vmem_shared>> -> memref<10240x128xf32, #tpu.memory_space<vmem_shared>>
        tpu.enqueue_indirect_dma source(%arg9 : memref<128x128xf32, #tpu.memory_space<vmem>>) target(%dma_start3A_66 : memref<10240x128xf32, #tpu.memory_space<vmem_shared>>) offsets(%dma_start3A_63 : memref<128xi32, #tpu.memory_space<vmem>>) semaphore(%run_scoped3A_60 : memref<!tpu.dma_semaphore, #tpu.memory_space<semaphore_mem>>) {add = true}
        %dma_wait3A_67 = arith.constant 0 : i32
        %dma_wait3A_68 = tpu.memref_slice %arg8[%run_scoped3A, %dma_wait3A_67] : memref<16x128xi32, #tpu.memory_space<vmem>> -> memref<1x128xi32, #tpu.memory_space<vmem>>
        %dma_wait3A_69 = tpu.memref_squeeze %dma_wait3A_68 : memref<1x128xi32, #tpu.memory_space<vmem>> -> memref<128xi32, #tpu.memory_space<vmem>>
        %dma_wait3A_70 = arith.constant 0 : i32
        %dma_wait3A_71 = arith.constant 0 : i32
        %dma_wait3A_72 = tpu.memref_slice %arg11[%dma_wait3A_70, %dma_wait3A_71] : memref<10240x128xf32, #tpu.memory_space<vmem_shared>> -> memref<10240x128xf32, #tpu.memory_space<vmem_shared>>
        tpu.wait_indirect_dma semaphore(%run_scoped3A_60 : memref<!tpu.dma_semaphore, #tpu.memory_space<semaphore_mem>>) src(%arg9 : memref<128x128xf32, #tpu.memory_space<vmem>>) dst(%dma_wait3A_72 : memref<10240x128xf32, #tpu.memory_space<vmem_shared>>)
        tpu.yield
      }) : () -> ()
      %dma_wait3A_52 = arith.constant 0 : i32
      %dma_wait3A_53 = arith.constant 0 : i32
      %dma_wait3A_54 = tpu.memref_slice %arg7[%dma_wait3A_52, %dma_wait3A_53] : memref<16x128xi32, #tpu.memory_space<vmem>> -> memref<1x128xi32, #tpu.memory_space<vmem>>
      %dma_wait3A_55 = tpu.memref_squeeze %dma_wait3A_54 : memref<1x128xi32, #tpu.memory_space<vmem>> -> memref<128xi32, #tpu.memory_space<vmem>>
      %dma_wait3A_56 = arith.constant 0 : i32
      %dma_wait3A_57 = arith.constant 0 : i32
      %dma_wait3A_58 = tpu.memref_slice %arg2[%dma_wait3A_56, %dma_wait3A_57] : memref<10240x128xf32, #tpu.memory_space<hbm>> -> memref<10240x128xf32, #tpu.memory_space<hbm>>
      tpu.wait_indirect_dma semaphore(%arg13 : memref<!tpu.dma_semaphore, #tpu.memory_space<semaphore_mem>>) src(%dma_wait3A_58 : memref<10240x128xf32, #tpu.memory_space<hbm>>) dst(%arg10 : memref<128x128xf32, #tpu.memory_space<vmem>>)
      %run_scoped3A_59 = arith.constant 15 : i32
      "tpu.region"() ({
        %run_scoped3A_60 = tpu.sem_alloc : memref<!tpu.dma_semaphore, #tpu.memory_space<semaphore_mem>>
        %dma_start3A_61 = arith.constant 0 : i32
        %dma_start3A_62 = tpu.memref_slice %arg8[%run_scoped3A_59, %dma_start3A_61] : memref<16x128xi32, #tpu.memory_space<vmem>> -> memref<1x128xi32, #tpu.memory_space<vmem>>
        %dma_start3A_63 = tpu.memref_squeeze %dma_start3A_62 : memref<1x128xi32, #tpu.memory_space<vmem>> -> memref<128xi32, #tpu.memory_space<vmem>>
        %dma_start3A_64 = arith.constant 0 : i32
        %dma_start3A_65 = arith.constant 0 : i32
        %dma_start3A_66 = tpu.memref_slice %arg11[%dma_start3A_64, %dma_start3A_65] : memref<10240x128xf32, #tpu.memory_space<vmem_shared>> -> memref<10240x128xf32, #tpu.memory_space<vmem_shared>>
        tpu.enqueue_indirect_dma source(%arg10 : memref<128x128xf32, #tpu.memory_space<vmem>>) target(%dma_start3A_66 : memref<10240x128xf32, #tpu.memory_space<vmem_shared>>) offsets(%dma_start3A_63 : memref<128xi32, #tpu.memory_space<vmem>>) semaphore(%run_scoped3A_60 : memref<!tpu.dma_semaphore, #tpu.memory_space<semaphore_mem>>) {add = true}
        %dma_wait3A_67 = arith.constant 0 : i32
        %dma_wait3A_68 = tpu.memref_slice %arg8[%run_scoped3A_59, %dma_wait3A_67] : memref<16x128xi32, #tpu.memory_space<vmem>> -> memref<1x128xi32, #tpu.memory_space<vmem>>
        %dma_wait3A_69 = tpu.memref_squeeze %dma_wait3A_68 : memref<1x128xi32, #tpu.memory_space<vmem>> -> memref<128xi32, #tpu.memory_space<vmem>>
        %dma_wait3A_70 = arith.constant 0 : i32
        %dma_wait3A_71 = arith.constant 0 : i32
        %dma_wait3A_72 = tpu.memref_slice %arg11[%dma_wait3A_70, %dma_wait3A_71] : memref<10240x128xf32, #tpu.memory_space<vmem_shared>> -> memref<10240x128xf32, #tpu.memory_space<vmem_shared>>
        tpu.wait_indirect_dma semaphore(%run_scoped3A_60 : memref<!tpu.dma_semaphore, #tpu.memory_space<semaphore_mem>>) src(%arg10 : memref<128x128xf32, #tpu.memory_space<vmem>>) dst(%dma_wait3A_72 : memref<10240x128xf32, #tpu.memory_space<vmem_shared>>)
        tpu.yield
      }) : () -> ()
    }
    %barrier3A_20 = arith.constant 0 : index
    tpu.barrier barrier_id(%barrier3A_20)
    %mul3A_21 = arith.constant 640 : i32
    %mul3A_22 = arith.muli %arg1, %mul3A_21 : i32
    %mul3A_23 = arith.constant 640 : i32
    %mul3A_24 = arith.muli %arg1, %mul3A_23 : i32
    "tpu.region"() ({
      %run_scoped3A = tpu.sem_alloc : memref<!tpu.dma_semaphore, #tpu.memory_space<semaphore_mem>>
      %dma_start3A = arith.constant 0 : i32
      %dma_start3A_25 = tpu.memref_slice %arg6[%arg0, %mul3A_24, %dma_start3A] : memref<2x10240x128xf32, #tpu.memory_space<hbm>> -> memref<1x640x128xf32, #tpu.memory_space<hbm>>
      %dma_start3A_26 = tpu.memref_squeeze %dma_start3A_25 : memref<1x640x128xf32, #tpu.memory_space<hbm>> -> memref<640x128xf32, #tpu.memory_space<hbm>>
      %dma_start3A_27 = arith.constant 0 : i32
      %dma_start3A_28 = tpu.memref_slice %arg11[%mul3A_22, %dma_start3A_27] : memref<10240x128xf32, #tpu.memory_space<vmem_shared>> -> memref<640x128xf32, #tpu.memory_space<vmem_shared>>
      tpu.enqueue_dma source(%dma_start3A_28 : memref<640x128xf32, #tpu.memory_space<vmem_shared>>) target(%dma_start3A_26 : memref<640x128xf32, #tpu.memory_space<hbm>>) target_semaphore(%run_scoped3A : memref<!tpu.dma_semaphore, #tpu.memory_space<semaphore_mem>>)
      %dma_wait3A = arith.constant 0 : i32
      %dma_wait3A_29 = tpu.memref_slice %arg6[%arg0, %mul3A_24, %dma_wait3A] : memref<2x10240x128xf32, #tpu.memory_space<hbm>> -> memref<1x640x128xf32, #tpu.memory_space<hbm>>
      %dma_wait3A_30 = tpu.memref_squeeze %dma_wait3A_29 : memref<1x640x128xf32, #tpu.memory_space<hbm>> -> memref<640x128xf32, #tpu.memory_space<hbm>>
      %dma_wait3A_31 = arith.constant 0 : i32
      %dma_wait3A_32 = tpu.memref_slice %arg11[%mul3A_22, %dma_wait3A_31] : memref<10240x128xf32, #tpu.memory_space<vmem_shared>> -> memref<640x128xf32, #tpu.memory_space<vmem_shared>>
      tpu.wait_dma2 semaphore(%run_scoped3A : memref<!tpu.dma_semaphore, #tpu.memory_space<semaphore_mem>>) src(%dma_wait3A_32 : memref<640x128xf32, #tpu.memory_space<vmem_shared>>) dst(%dma_wait3A_30 : memref<640x128xf32, #tpu.memory_space<hbm>>)
      tpu.yield
    }) : () -> ()
    return
  }
}

#map = affine_map<(d0, d1) -> (0)>
#map1 = affine_map<(d0, d1) -> (0, 0)>
module attributes {stable_mosaic.version = 14 : i64} {
  func.func @_deg_body(%arg0: i32, %arg1: i32, %arg2: memref<320000xi32, #tpu.memory_space<hbm>>, %arg3: memref<10240xf32, #tpu.memory_space<hbm>>, %arg4: memref<32x10240xf32, #tpu.memory_space<hbm>>, %arg5: memref<10000xi32, #tpu.memory_space<vmem>>, %arg6: memref<10240xf32, #tpu.memory_space<vmem>>) attributes {dimension_semantics = [#tpu.dimension_semantics<core_parallel>, #tpu.dimension_semantics<subcore_parallel>], iteration_bounds = array<i64: 2, 16>, scalar_prefetch = 0 : i64, scratch_operands = 2 : i64, tpu.core_type = #tpu.core_type<sc_vector_subcore>, window_params = [{transform_indices = #map}, {transform_indices = #map}, {transform_indices = #map1}]} {
    %mul3A = arith.constant 16 : i32
    %mul3A_0 = arith.muli %arg0, %mul3A : i32
    %add3A = arith.addi %mul3A_0, %arg1 : i32
    "tpu.region"() ({
      %run_scoped3A = tpu.sem_alloc : memref<!tpu.dma_semaphore, #tpu.memory_space<semaphore_mem>>
      tpu.enqueue_dma source(%arg3 : memref<10240xf32, #tpu.memory_space<hbm>>) target(%arg6 : memref<10240xf32, #tpu.memory_space<vmem>>) target_semaphore(%run_scoped3A : memref<!tpu.dma_semaphore, #tpu.memory_space<semaphore_mem>>)
      tpu.wait_dma2 semaphore(%run_scoped3A : memref<!tpu.dma_semaphore, #tpu.memory_space<semaphore_mem>>) src(%arg3 : memref<10240xf32, #tpu.memory_space<hbm>>) dst(%arg6 : memref<10240xf32, #tpu.memory_space<vmem>>)
      tpu.yield
    }) : () -> ()
    %mul3A_1 = arith.constant 10000 : i32
    %mul3A_2 = arith.muli %add3A, %mul3A_1 : i32
    "tpu.region"() ({
      %run_scoped3A = tpu.sem_alloc : memref<!tpu.dma_semaphore, #tpu.memory_space<semaphore_mem>>
      %dma_start3A = tpu.memref_slice %arg2[%mul3A_2] : memref<320000xi32, #tpu.memory_space<hbm>> -> memref<10000xi32, #tpu.memory_space<hbm>>
      %dma_start3A_9 = tpu.memref_slice %arg2[%mul3A_2] : memref<320000xi32, #tpu.memory_space<hbm>> -> memref<10000xi32, #tpu.memory_space<hbm>>
      tpu.enqueue_dma source(%dma_start3A_9 : memref<10000xi32, #tpu.memory_space<hbm>>) target(%arg5 : memref<10000xi32, #tpu.memory_space<vmem>>) target_semaphore(%run_scoped3A : memref<!tpu.dma_semaphore, #tpu.memory_space<semaphore_mem>>)
      %dma_wait3A = tpu.memref_slice %arg2[%mul3A_2] : memref<320000xi32, #tpu.memory_space<hbm>> -> memref<10000xi32, #tpu.memory_space<hbm>>
      %dma_wait3A_10 = tpu.memref_slice %arg2[%mul3A_2] : memref<320000xi32, #tpu.memory_space<hbm>> -> memref<10000xi32, #tpu.memory_space<hbm>>
      tpu.wait_dma2 semaphore(%run_scoped3A : memref<!tpu.dma_semaphore, #tpu.memory_space<semaphore_mem>>) src(%dma_wait3A_10 : memref<10000xi32, #tpu.memory_space<hbm>>) dst(%arg5 : memref<10000xi32, #tpu.memory_space<vmem>>)
      tpu.yield
    }) : () -> ()
    %broadcast_in_dim3A = arith.constant 1.000000e+00 : f32
    %broadcast_in_dim3A_3 = vector.broadcast %broadcast_in_dim3A : f32 to vector<16xf32>
    %scan3A = arith.constant 0 : i32
    %scan3A_4 = arith.constant 0 : i32
    %scan3A_5 = arith.constant 625 : i32
    %scan3A_6 = arith.addi %scan3A_4, %scan3A_5 : i32
    %scan3A_7 = arith.constant 1 : i32
    scf.for %scan3A_9 = %scan3A_4 to %scan3A_6 step %scan3A_7  : i32 {
      %mul3A_10 = arith.constant 16 : i32
      %mul3A_11 = arith.muli %scan3A_9, %mul3A_10 : i32
      %get3A = arith.index_cast %mul3A_11 : i32 to index
      %get3A_12 = tpu.vector_load %arg5[%get3A] {strides = array<i32>} : memref<10000xi32, #tpu.memory_space<vmem>>, vector<16xi32>,
      tpu.vector_store_idx %arg6[%get3A_12], %broadcast_in_dim3A_3 {add = true} : memref<10240xf32, #tpu.memory_space<vmem>>[vector<16xi32>], vector<16xf32>,
    }
    %scan3A_8 = arith.constant 625 : i32
    "tpu.region"() ({
      %run_scoped3A = tpu.sem_alloc : memref<!tpu.dma_semaphore, #tpu.memory_space<semaphore_mem>>
      %dma_start3A = arith.constant 0 : i32
      %dma_start3A_9 = tpu.memref_slice %arg4[%add3A, %dma_start3A] : memref<32x10240xf32, #tpu.memory_space<hbm>> -> memref<1x10240xf32, #tpu.memory_space<hbm>>
      %dma_start3A_10 = tpu.memref_squeeze %dma_start3A_9 : memref<1x10240xf32, #tpu.memory_space<hbm>> -> memref<10240xf32, #tpu.memory_space<hbm>>
      %dma_start3A_11 = arith.constant 0 : i32
      %dma_start3A_12 = tpu.memref_slice %arg4[%add3A, %dma_start3A_11] : memref<32x10240xf32, #tpu.memory_space<hbm>> -> memref<1x10240xf32, #tpu.memory_space<hbm>>
      %dma_start3A_13 = tpu.memref_squeeze %dma_start3A_12 : memref<1x10240xf32, #tpu.memory_space<hbm>> -> memref<10240xf32, #tpu.memory_space<hbm>>
      tpu.enqueue_dma source(%arg6 : memref<10240xf32, #tpu.memory_space<vmem>>) target(%dma_start3A_13 : memref<10240xf32, #tpu.memory_space<hbm>>) target_semaphore(%run_scoped3A : memref<!tpu.dma_semaphore, #tpu.memory_space<semaphore_mem>>)
      %dma_wait3A = arith.constant 0 : i32
      %dma_wait3A_14 = tpu.memref_slice %arg4[%add3A, %dma_wait3A] : memref<32x10240xf32, #tpu.memory_space<hbm>> -> memref<1x10240xf32, #tpu.memory_space<hbm>>
      %dma_wait3A_15 = tpu.memref_squeeze %dma_wait3A_14 : memref<1x10240xf32, #tpu.memory_space<hbm>> -> memref<10240xf32, #tpu.memory_space<hbm>>
      %dma_wait3A_16 = arith.constant 0 : i32
      %dma_wait3A_17 = tpu.memref_slice %arg4[%add3A, %dma_wait3A_16] : memref<32x10240xf32, #tpu.memory_space<hbm>> -> memref<1x10240xf32, #tpu.memory_space<hbm>>
      %dma_wait3A_18 = tpu.memref_squeeze %dma_wait3A_17 : memref<1x10240xf32, #tpu.memory_space<hbm>> -> memref<10240xf32, #tpu.memory_space<hbm>>
      tpu.wait_dma2 semaphore(%run_scoped3A : memref<!tpu.dma_semaphore, #tpu.memory_space<semaphore_mem>>) src(%arg6 : memref<10240xf32, #tpu.memory_space<vmem>>) dst(%dma_wait3A_18 : memref<10240xf32, #tpu.memory_space<hbm>>)
      tpu.yield
    }) : () -> ()
    return
  }
}

module attributes {stable_mosaic.version = 14 : i64} {
  func.func @_h2_body(%arg0: i32, %arg1: memref<2048x128xf32, #tpu.memory_space<vmem>>, %arg2: memref<128x128xf32, #tpu.memory_space<vmem>>, %arg3: memref<32x10240xf32, #tpu.memory_space<vmem>>, %arg4: memref<2048x128xf32, #tpu.memory_space<vmem>>, %arg5: memref<2048x8xf32, #tpu.memory_space<vmem>>) attributes {dimension_semantics = [#tpu.dimension_semantics<arbitrary>], iteration_bounds = array<i64: 5>, scalar_prefetch = 0 : i64, scratch_operands = 0 : i64, tpu.core_type = #tpu.core_type<tc>, window_params = [{transform_indices = @transform_0, window_bounds = array<i64: 2048, 128>}, {pipeline_mode = #tpu.pipeline_mode<synchronous>, transform_indices = @transform_1, window_bounds = array<i64: 128, 128>}, {pipeline_mode = #tpu.pipeline_mode<synchronous>, transform_indices = @transform_2, window_bounds = array<i64: 32, 10240>}, {transform_indices = @transform_3, window_bounds = array<i64: 2048, 128>}, {transform_indices = @transform_4, window_bounds = array<i64: 2048, 8>}]} {
    %mul3A = arith.constant 2048 : i32
    %mul3A_0 = arith.muli %arg0, %mul3A : i32
    %get3A = arith.constant 0 : index
    %get3A_1 = arith.index_cast %mul3A_0 : i32 to index
    %get3A_2 = vector.load %arg3[%get3A, %get3A_1] : memref<32x10240xf32, #tpu.memory_space<vmem>>, vector<32x2048xf32>
    %reduce_sum3A = arith.constant dense<0.000000e+00> : vector<2048xf32>
    %reduce_sum3A_3 = vector.multi_reduction <add>, %get3A_2, %reduce_sum3A [0] : vector<32x2048xf32> to vector<2048xf32>
    %add3A = arith.constant 1.000000e+00 : f32
    %add3A_4 = vector.broadcast %add3A : f32 to vector<2048xf32>
    %add3A_5 = arith.addf %reduce_sum3A_3, %add3A_4 : vector<2048xf32>
    %rsqrt3A = math.rsqrt %add3A_5 : vector<2048xf32>
    %get3A_6 = arith.constant 0 : index
    %get3A_7 = arith.constant 0 : index
    %get3A_8 = vector.load %arg1[%get3A_6, %get3A_7] : memref<2048x128xf32, #tpu.memory_space<vmem>>, vector<2048x128xf32>
    %get3A_9 = arith.constant 0 : index
    %get3A_10 = arith.constant 0 : index
    %get3A_11 = vector.load %arg2[%get3A_9, %get3A_10] : memref<128x128xf32, #tpu.memory_space<vmem>>, vector<128x128xf32>
    %dot_general3A = arith.constant dense<0.000000e+00> : vector<2048x128xf32>
    %dot_general3A_12 = tpu.matmul %get3A_8, %get3A_11, %dot_general3A {dimension_numbers = #tpu.dot_dimension_numbers<[1], [0], [0], [1], [0, 0, 1, 1], [], []>, transpose_lhs_hint = false} : vector<2048x128xf32>, vector<128x128xf32>, vector<2048x128xf32> -> vector<2048x128xf32>
    %broadcast_in_dim3A = vector.shape_cast %rsqrt3A : vector<2048xf32> to vector<2048x1xf32>
    %mul3A_13 = vector.broadcast %broadcast_in_dim3A : vector<2048x1xf32> to vector<2048x128xf32>
    %mul3A_14 = arith.mulf %dot_general3A_12, %mul3A_13 : vector<2048x128xf32>
    %swap3A = arith.constant 0 : index
    %swap3A_15 = arith.constant 0 : index
    %swap3A_16 = vector.load %arg4[%swap3A, %swap3A_15] : memref<2048x128xf32, #tpu.memory_space<vmem>>, vector<2048x128xf32>
    tpu.vector_store %arg4[%swap3A, %swap3A_15], %mul3A_14 {strides = array<i32>} : memref<2048x128xf32, #tpu.memory_space<vmem>>, vector<2048x128xf32>,
    %broadcast_in_dim3A_17 = vector.shape_cast %rsqrt3A : vector<2048xf32> to vector<2048x1xf32>
    %broadcast_in_dim3A_18 = vector.shape_cast %broadcast_in_dim3A_17 : vector<2048x1xf32> to vector<2048x1xf32>
    %broadcast_in_dim3A_19 = vector.broadcast %broadcast_in_dim3A_18 : vector<2048x1xf32> to vector<2048x8xf32>
    %swap3A_20 = arith.constant 0 : index
    %swap3A_21 = arith.constant 0 : index
    %swap3A_22 = vector.load %arg5[%swap3A_20, %swap3A_21] : memref<2048x8xf32, #tpu.memory_space<vmem>>, vector<2048x8xf32>
    tpu.vector_store %arg5[%swap3A_20, %swap3A_21], %broadcast_in_dim3A_19 {strides = array<i32>} : memref<2048x8xf32, #tpu.memory_space<vmem>>, vector<2048x8xf32>,
    return
  }
  func.func @transform_0(%arg0: i32) -> (i32, i32) {
    %c0_i32 = arith.constant 0 : i32
    %c0_i32_0 = arith.constant 0 : i32
    return %arg0, %c0_i32 : i32, i32
  }
  func.func @transform_1(%arg0: i32) -> (i32, i32) {
    %c0_i32 = arith.constant 0 : i32
    %c0_i32_0 = arith.constant 0 : i32
    %c0_i32_1 = arith.constant 0 : i32
    return %c0_i32, %c0_i32_0 : i32, i32
  }
  func.func @transform_2(%arg0: i32) -> (i32, i32) {
    %c0_i32 = arith.constant 0 : i32
    %c0_i32_0 = arith.constant 0 : i32
    %c0_i32_1 = arith.constant 0 : i32
    return %c0_i32, %c0_i32_0 : i32, i32
  }
  func.func @transform_3(%arg0: i32) -> (i32, i32) {
    %c0_i32 = arith.constant 0 : i32
    %c0_i32_0 = arith.constant 0 : i32
    return %arg0, %c0_i32 : i32, i32
  }
  func.func @transform_4(%arg0: i32) -> (i32, i32) {
    %c0_i32 = arith.constant 0 : i32
    %c0_i32_0 = arith.constant 0 : i32
    return %arg0, %c0_i32 : i32, i32
  }
}

module attributes {stable_mosaic.version = 14 : i64} {
  func.func @_out_body(%arg0: i32, %arg1: memref<1x2000x128xf32, #tpu.memory_space<vmem>>, %arg2: memref<1x2000x128xf32, #tpu.memory_space<vmem>>, %arg3: memref<2000x128xf32, #tpu.memory_space<vmem>>, %arg4: memref<2000x8xf32, #tpu.memory_space<vmem>>, %arg5: memref<1x128xf32, #tpu.memory_space<vmem>>, %arg6: memref<2000x128xf32, #tpu.memory_space<vmem>>) attributes {dimension_semantics = [#tpu.dimension_semantics<arbitrary>], iteration_bounds = array<i64: 5>, scalar_prefetch = 0 : i64, scratch_operands = 0 : i64, tpu.core_type = #tpu.core_type<tc>, window_params = [{transform_indices = @transform_0, window_bounds = array<i64: 1, 2000, 128>}, {transform_indices = @transform_1, window_bounds = array<i64: 1, 2000, 128>}, {transform_indices = @transform_2, window_bounds = array<i64: 2000, 128>}, {transform_indices = @transform_3, window_bounds = array<i64: 2000, 8>}, {pipeline_mode = #tpu.pipeline_mode<synchronous>, transform_indices = @transform_4, window_bounds = array<i64: 1, 128>}, {transform_indices = @transform_5, window_bounds = array<i64: 2000, 128>}]} {
    %get3A = arith.constant 0 : index
    %get3A_0 = arith.constant 0 : index
    %get3A_1 = vector.load %arg4[%get3A, %get3A_0] : memref<2000x8xf32, #tpu.memory_space<vmem>>, vector<2000x8xf32>
    %slice3A = vector.extract_strided_slice %get3A_1 {offsets = [0, 0], sizes = [2000, 1], strides = [1, 1]} : vector<2000x8xf32> to vector<2000x1xf32>
    %squeeze3A = vector.shape_cast %slice3A : vector<2000x1xf32> to vector<2000xf32>
    %get3A_2 = arith.constant 0 : index
    %get3A_3 = arith.constant 0 : index
    %get3A_4 = arith.constant 0 : index
    %get3A_5 = vector.load %arg1[%get3A_2, %get3A_3, %get3A_4] : memref<1x2000x128xf32, #tpu.memory_space<vmem>>, vector<1x2000x128xf32>
    %get3A_6 = vector.shape_cast %get3A_5 : vector<1x2000x128xf32> to vector<2000x128xf32>
    %get3A_7 = arith.constant 0 : index
    %get3A_8 = arith.constant 0 : index
    %get3A_9 = arith.constant 0 : index
    %get3A_10 = vector.load %arg2[%get3A_7, %get3A_8, %get3A_9] : memref<1x2000x128xf32, #tpu.memory_space<vmem>>, vector<1x2000x128xf32>
    %get3A_11 = vector.shape_cast %get3A_10 : vector<1x2000x128xf32> to vector<2000x128xf32>
    %add3A = arith.addf %get3A_6, %get3A_11 : vector<2000x128xf32>
    %get3A_12 = arith.constant 0 : index
    %get3A_13 = arith.constant 0 : index
    %get3A_14 = vector.load %arg3[%get3A_12, %get3A_13] : memref<2000x128xf32, #tpu.memory_space<vmem>>, vector<2000x128xf32>
    %add3A_15 = arith.addf %add3A, %get3A_14 : vector<2000x128xf32>
    %broadcast_in_dim3A = vector.shape_cast %squeeze3A : vector<2000xf32> to vector<2000x1xf32>
    %mul3A = vector.broadcast %broadcast_in_dim3A : vector<2000x1xf32> to vector<2000x128xf32>
    %mul3A_16 = arith.mulf %add3A_15, %mul3A : vector<2000x128xf32>
    %get3A_17 = arith.constant 0 : index
    %get3A_18 = arith.constant 0 : index
    %get3A_19 = vector.load %arg5[%get3A_17, %get3A_18] : memref<1x128xf32, #tpu.memory_space<vmem>>, vector<1x128xf32>
    %add3A_20 = vector.broadcast %get3A_19 : vector<1x128xf32> to vector<2000x128xf32>
    %add3A_21 = arith.addf %mul3A_16, %add3A_20 : vector<2000x128xf32>
    %max3A = arith.constant 0.000000e+00 : f32
    %max3A_22 = vector.broadcast %max3A : f32 to vector<2000x128xf32>
    %max3A_23 = arith.maximumf %add3A_21, %max3A_22 : vector<2000x128xf32>
    %swap3A = arith.constant 0 : index
    %swap3A_24 = arith.constant 0 : index
    %swap3A_25 = vector.load %arg6[%swap3A, %swap3A_24] : memref<2000x128xf32, #tpu.memory_space<vmem>>, vector<2000x128xf32>
    tpu.vector_store %arg6[%swap3A, %swap3A_24], %max3A_23 {strides = array<i32>} : memref<2000x128xf32, #tpu.memory_space<vmem>>, vector<2000x128xf32>,
    return
  }
  func.func @transform_0(%arg0: i32) -> (i32, i32, i32) {
    %c0_i32 = arith.constant 0 : i32
    %c0_i32_0 = arith.constant 0 : i32
    %c0_i32_1 = arith.constant 0 : i32
    return %c0_i32, %arg0, %c0_i32_0 : i32, i32, i32
  }
  func.func @transform_1(%arg0: i32) -> (i32, i32, i32) {
    %c1_i32 = arith.constant 1 : i32
    %c0_i32 = arith.constant 0 : i32
    %c0_i32_0 = arith.constant 0 : i32
    return %c1_i32, %arg0, %c0_i32 : i32, i32, i32
  }
  func.func @transform_2(%arg0: i32) -> (i32, i32) {
    %c0_i32 = arith.constant 0 : i32
    %c0_i32_0 = arith.constant 0 : i32
    return %arg0, %c0_i32 : i32, i32
  }
  func.func @transform_3(%arg0: i32) -> (i32, i32) {
    %c0_i32 = arith.constant 0 : i32
    %c0_i32_0 = arith.constant 0 : i32
    return %arg0, %c0_i32 : i32, i32
  }
  func.func @transform_4(%arg0: i32) -> (i32, i32) {
    %c0_i32 = arith.constant 0 : i32
    %c0_i32_0 = arith.constant 0 : i32
    %c0_i32_1 = arith.constant 0 : i32
    return %c0_i32, %c0_i32_0 : i32, i32
  }
  func.func @transform_5(%arg0: i32) -> (i32, i32) {
    %c0_i32 = arith.constant 0 : i32
    %c0_i32_0 = arith.constant 0 : i32
    return %arg0, %c0_i32 : i32, i32
  }
}

</mosaic_0001>

<sc_bundles>
// kernel: kernel.6.cloned.1.call-start
scs
__scs_entry_jumppad:
0x0: {  	(pc) =	sbr.rel $0x88, $3  }
0x1: {  	(tag) =	ssettag $0x0;
	lr =	simm.s32 $0x1  }
0x2: {  	[smem:$0x3F9D] =	sst lr;
	_ =	strace $0xD0000000  }
0x3: {  	_ = 	snop  }
0x4: {  	_ = 	snop  }
0x5: {  	_ = 	snop  }
0x6: {  	_ = 	snop  }
0x7: {  	_ = 	snop  }
__scs_overlays_trampoline_lowered:
0x8: {  	[smem:$0x3FAC] =	sst s0  }
0x9: {  	[smem:$0x3FAD] =	sst s1  }
0xa: {  	[smem:$0x3FAE] =	sst s2  }
0xb: {  	[smem:$0x3FAF] =	sst s3  }
0xc: {  	[smem:$0x3FB0] =	sst s4  }
0xd: {  	[smem:$0x3FB1] =	sst s5  }
0xe: {  	[smem:$0x3FB2] =	sst s6  }
0xf: {  	[smem:$0x3FB3] =	sst s7  }
0x10: {  	[smem:$0x3FB4] =	sst s8  }
0x11: {  	[smem:$0x3FB5] =	sst s9;
	s0 =	simm.s32 @!p0 $0x0  }
0x12: {  	s1 =	sld [smem:$0x3F9B];
	s0 =	simm.s32 @p0 $0x1  }
0x13: {  	[smem:$0x3FB6] =	sst s0;
	s0 =	simm.s32 @!p1 $0x0  }
0x14: {  	s2 =	sld [smem:$0x3F9A];
	s0 =	simm.s32 @p1 $0x1  }
0x15: {  	[smem:$0x3FB7] =	sst s0;
	s0 =	simm.s32 @!p2 $0x0  }
0x16: {  	s3 =	sld [smem:$0x3FDB];
	s0 =	simm.s32 @p2 $0x1  }
0x17: {  	s4 =	simm.s32 $0x1BF5;
	[smem:$0x3FB9] =	sst s0  }
0x18: {  	s0 =	sld [smem:$0x3F9C];
	_ =	swait.ge [sflag:s4], $0x0  }
0x19: {  	s7 =	sld [smem:$0x3F9D]  }
0x1a: {  	s8 =	sadd.s32 $0xFFFFE003, lr  }
0x1b: {  	s9 =	sadd.s32 $0xFFFFFEF7, lr;
	s5 =	simm.s32 $0xFFFFFFFF;
	p2 =	slt.u32 s8, $0xFFFFF086  }
0x1c: {  	p1 =	slt.u32 s9, $0xF7A;
	s5 =	simm.s32 @!p2 $0x0  }
0x1d: {  	s5 =	simm.s32 @p1 $0x1;
	p0 =	seq.s32 s7, s2  }
0x1e: {  	s7 =	smul.u32 @!p0 $0xF7A, s2;
	p2 =	seq.s32 @!p0 s5, $0x0  }
0x1f: {  	s9 =	smul.u32 $0xF7A, s1;
	s8 =	simm.s32 @!p0 $0x1BF5;
	p2 =	por !p2, p0  }
0x20: {  	[sflag:s8] =	ssyncset.s32 @!p0 $0xFFFFF086;
	s6 =	sadd.s32 @!p0 s3, s7;
	s7 =	simm.s32 @!p0 $0x108  }
0x21: {  	s3 =	sadd.s32 s3, s9;
	s6 =	sadd.s32 @!p0 $0x88, s6;
	s7 =	simm.s32 @p2 $0x1082  }
0x22: {  	[simem:s7], [sflag:s8] =	dma.local @!p0 [hbm:s6], $0xF7A  }
0x23: {  	s9 =	sor.u32 $0xD0000000, s2;
	s6 =	simm.s32 $0x108;
	_ =	swait.ge @!p0 [sflag:s8], $0x0  }
0x24: {  	s3 =	sadd.s32 $0x88, s3;
	s6 =	simm.s32 @!p1 $0x1082;
	[sflag:s4] =	ssyncset.s32 $0xFFFFF086  }
0x25: {  	[simem:s6], [sflag:s4] =	dma.local [hbm:s3], $0xF7A  }
0x26: {  	[smem:$0x3F9D] =	sst s1;
	(tag) =	ssettag s2;
	_ =	strace s9  }
0x27: {  	s1 =	sld [smem:$0x3FAD]  }
0x28: {  	s2 =	sld [smem:$0x3FAE]  }
0x29: {  	s4 =	sld [smem:$0x3FB0]  }
0x2a: {  	p0 =	seq.s32 s5, $0x0;
	s5 =	sld [smem:$0x3FB1]  }
0x2b: {  	s6 =	sld [smem:$0x3FB2]  }
0x2c: {  	s7 =	sld [smem:$0x3FB3]  }
0x2d: {  	s3 =	simm.s32 $0x108;
	s8 =	sld [smem:$0x3FB4]  }
0x2e: {  	s3 =	simm.s32 @!p0 $0x1082;
	s9 =	sld [smem:$0x3FB5]  }
0x2f: {  	lr =	sadd.s32 s0, s3;
	s0 =	sld [smem:$0x3FAC]  }
0x30: {  	s3 =	sld [smem:$0x3FAF]  }
0x31: {  	[smem:$0x3FB8] =	sst s10  }
0x32: {  	s10 =	sld [smem:$0x3FB6];
	_ =	sdelay $0x3  }
0x33: {  	p0 =	seq.s32 s10, $0x1;
	s10 =	sld [smem:$0x3FB8];
	_ =	sdelay $0x3  }
0x34: {  	[smem:$0x3FB8] =	sst s10  }
0x35: {  	s10 =	sld [smem:$0x3FB7];
	_ =	sdelay $0x3  }
0x36: {  	p1 =	seq.s32 s10, $0x1;
	s10 =	sld [smem:$0x3FB8];
	_ =	sdelay $0x3  }
0x37: {  	[smem:$0x3FB8] =	sst s10  }
0x38: {  	s10 =	sld [smem:$0x3FB9]  }
0x39: {  	_ = 	snop;
	(pc) =	sbr.ind lr, $3  }
0x3a: {  	_ = 	snop  }
0x3b: {  	_ = 	snop  }
0x3c: {  	p2 =	seq.s32 s10, $0x1;
	s10 =	sld [smem:$0x3FB8]  }
0x3d: {  	_ =	shalt  }
0x3e: {  	_ =	shalt  }
0x3f: {  	_ =	shalt  }
0x40: {  	_ =	shalt  }
0x41: {  	_ =	shalt  }
0x42: {  	_ =	shalt  }
0x43: {  	_ =	shalt  }
0x44: {  	_ =	shalt  }
0x45: {  	_ =	shalt  }
0x46: {  	_ =	shalt  }
0x47: {  	_ =	shalt  }
0x48: {  	_ =	shalt  }
0x49: {  	_ =	shalt  }
0x4a: {  	_ =	shalt  }
0x4b: {  	_ =	shalt  }
0x4c: {  	_ =	shalt  }
0x4d: {  	_ =	shalt  }
0x4e: {  	_ =	shalt  }
0x4f: {  	_ =	shalt  }
0x50: {  	_ =	shalt  }
0x51: {  	_ =	shalt  }
0x52: {  	_ =	shalt  }
0x53: {  	_ =	shalt  }
0x54: {  	_ =	shalt  }
0x55: {  	_ =	shalt  }
0x56: {  	_ =	shalt  }
0x57: {  	_ =	shalt  }
0x58: {  	_ =	shalt  }
0x59: {  	_ =	shalt  }
0x5a: {  	_ =	shalt  }
0x5b: {  	_ =	shalt  }
0x5c: {  	_ =	shalt  }
0x5d: {  	_ =	shalt  }
0x5e: {  	_ =	shalt  }
0x5f: {  	_ =	shalt  }
0x60: {  	_ =	shalt  }
0x61: {  	_ =	shalt  }
0x62: {  	_ =	shalt  }
0x63: {  	_ =	shalt  }
0x64: {  	_ =	shalt  }
0x65: {  	_ =	shalt  }
0x66: {  	_ =	shalt  }
0x67: {  	_ =	shalt  }
0x68: {  	_ =	shalt  }
0x69: {  	_ =	shalt  }
0x6a: {  	_ =	shalt  }
0x6b: {  	_ =	shalt  }
0x6c: {  	_ =	shalt  }
0x6d: {  	_ =	shalt  }
0x6e: {  	_ =	shalt  }
0x6f: {  	_ =	shalt  }
0x70: {  	_ =	shalt  }
0x71: {  	_ =	shalt  }
0x72: {  	_ =	shalt  }
0x73: {  	_ =	shalt  }
0x74: {  	_ =	shalt  }
0x75: {  	_ =	shalt  }
0x76: {  	_ =	shalt  }
0x77: {  	_ =	shalt  }
0x78: {  	_ =	shalt  }
0x79: {  	_ =	shalt  }
0x7a: {  	_ =	shalt  }
0x7b: {  	_ =	shalt  }
0x7c: {  	_ =	shalt  }
0x7d: {  	_ =	shalt  }
0x7e: {  	_ =	shalt  }
0x7f: {  	_ =	shalt  }
0x80: {  	_ =	shalt  }
0x81: {  	_ =	shalt  }
0x82: {  	_ =	shalt  }
0x83: {  	_ =	shalt  }
0x84: {  	_ =	shalt  }
0x85: {  	_ =	shalt  }
0x86: {  	_ =	shalt  }
0x87: {  	_ =	shalt  }
.Lfunc_end0:
.L_simem_size_0:
called_computation_lowered:
.L_overlay_start_0:
0x88: {  	s2 =	sld [smem:$0x3FD9]  }
0x89: {  	s3 =	sld [smem:$0x3FFE];
	_ =	sdelay $0x1  }
0x8a: {  	s1 =	srdreg.scid  }
0x8b: {  	s0 =	sand.u32 $0x1, s1  }
0x8c: {  	s16 =	sshll.u32 s0, $0xA;
	s2 =	sadd.s32 s3, s2  }
0x8d: {  	s2 =	sadd.s32 s2, s16  }
0x8e: {  	[smem:$0x3FC4] =	sst s2  }
0x8f: {  	_ = 	snop  }
0x90: {  	(tm) =	ssettm $0x1  }
0x91: {  	s17 =	sld [smem:$0x3FFB];
	_ =	sdelay $0x3  }
0x92: {  	_ =	strace s17  }
0x93: {  	s2 =	sld [smem:$0x3FFC];
	_ =	sdelay $0x3  }
0x94: {  	_ =	strace s2  }
0x95: {  	s2 =	sld [smem:$0x3FFD];
	_ =	sdelay $0x3  }
0x96: {  	_ =	strace s2  }
0x97: {  	_ =	strace $0x8FFFFFFF  }
0x98: {  	s18 =	sld [smem:$0x3FDB];
	_ =	sdelay $0x1  }
0x99: {  	s19 =	simm.s32 $_scs_section_size  }
0x9a: {  	s4 =	simm.s32 $_size__tile_overlayer_lowered;
	s5 =	simm.s32 $_tile_overlayer_lowered  }
0x9b: {  	s22 =	simm.s32 $0x1BFF;
	s21 =	sshll.u32 s5, $0x1;
	s2 =	sadd.s32 s19, s18  }
0x9c: {  	s6 =	simm.s32 $0x0;
	s20 =	sshll.u32 s4, $0x1;
	s4 =	sadd.s32 s21, s2  }
0x9d: {  	[timem:s6], [sflag:s22] =	dma.local [hbm:s4], s20  }
0x9e: {  	_ =	swait.ge [sflag:s22], s20  }
0x9f: {  	s3 =	ssub.s32 $0x0, s20;
	[sflag:s22] =	ssyncset.done $0x0  }
0xa0: {  	[sflag:s22] =	ssyncadd.s32 s3;
	_ =	sdelay $0x1  }
0xa1: {  	s23 =	simm.s32 $0x1B8B  }
0xa2: {  	_ =	swait.ge [sflag:s23], $0x1  }
0xa3: {  	[sflag:s23] =	ssyncset.done $0x0  }
0xa4: {  	s25 =	simm.s32 $0x1B8E;
	s24 =	sld [smem:$0x3FFE];
	[sflag:s23] =	ssyncadd.s32 $0xFFFFFFFF  }
0xa5: {  	s26 =	simm.s32 $execute0_lowered;
	[smem:$0x3FD2] =	sst s25  }
0xa6: {  	s4 =	sshll.u32 s26, $0x1;
	_ =	strace $0x80000046;
	[dreg:$0x1] =	wrdreg $0xFFFFFFFF  }
0xa7: {  	s28 =	simm.s32 $_size_execute0_lowered;
	s2 =	sadd.s32 s2, s4;
	[dreg:$0x0] =	wrdreg $0x0  }
0xa8: {  	s4 =	sshll.u32 s28, $0x1;
	[dreg:$0x2] =	wrdreg s2  }
0xa9: {  	[dreg:$0x3] =	wrdreg s4  }
0xaa: {  	[dreg:$0x4] =	wrdreg $0xC0  }
0xab: {  	_ =	task [dreg:s6], $0x5FFFF  }
0xac: {  	[dreg:$0x1] =	wrdreg $0xFFFFFFFF  }
0xad: {  	[dreg:$0x0] =	wrdreg $0x60  }
0xae: {  	[dreg:$0x2] =	wrdreg s24  }
0xaf: {  	[dreg:$0x3] =	wrdreg $0x9  }
0xb0: {  	_ =	task.clear_ibuf [dreg:s6], $0x4FFFF;
	_ =	strace $0x90000046  }
0xb1: {  	s29 =	simm.s32 $0x9;
	_ =	strace $0x80000048  }
0xb2: {  	_ =	swait.ge [sflag:s29], $0x1  }
0xb3: {  	[sflag:s29] =	ssyncadd.s32 $0xFFFFFFFF  }
0xb4: {  	_ =	strace $0x90000048  }
0xb5: {  	_ =	sfence  }
0xb6: {  	s30 =	sld [smem:$0x0];
	_ =	sdelay $0x2  }
0xb7: {  	s31 =	sshll.u32 s1, $0xD;
	s1 =	sshrl.u32 s1, $0x2  }
0xb8: {  	s3 =	sand.u32 $0x4000, s31;
	s1 =	sadd.s32 s1, s30  }
0xb9: {  	s0 =	sor.u32 s3, s0;
	s1 =	sshll.u32 s1, $0x11  }
0xba: {  	s0 =	sor.u32 s1, s0  }
0xbb: {  	s0 =	sadd.s32 $0x8F2B, s0  }
0xbc: {  	[sflag:s0] =	ssyncadd.remote.s32 $0x1  }
0xbd: {  	_ =	sfence.sel $0xFFFF  }
0xbe: {  	[dreg:$0x0] =	wrdreg $0xFFFFFFFF;
	(pc) =	sbr.abs _section_cstart, $3  }
0xbf: {  	[dreg:$0x1] =	wrdreg $0xFFFFFFFF  }
0xc0: {  	_ =	task.clear_ibuf [dreg:s6], $0x2FFFF;
	_ =	strace $0x9FFFFFFF  }
0xc1: {  	(tm) =	ssettm $0x7FFFFFFF  }
tec
execute0_lowered:
.L_overlay_start_1:
0x0: {  	(tag) =	ssettag $0x1  }
0x1: {  	s0 =	srdreg.scid  }
0x2: {  	s4 =	rddreg [dreg:$0x0];
	s2 =	simm.s32 $0x0;
	s3 =	sand.u32 $0x1, s0  }
0x3: {  	s8 =	simm.s32 $0x1;
	s0 =	stileid.u32;
	s1 =	sshll.u32 s3, $0x4  }
0x4: {  	s9 =	simm.s32 $0x80;
	s10 =	simm.s32 $0x400;
	s5 =	sor.u32 s0, s1  }
0x5: {  	s11 =	simm.s32 $0x0;
	[smem:$0x7FF] =	sst s2;
	s6 =	sshrl.u32 s5, $0x3  }
0x6: {  	s7 =	sshll.u32 s0, $0x7;
	s30 =	ssub.s32 $0x2, s3;
	s6 =	smul.u32 $0x14000, s6  }
0x7: {  	s3 =	sadd.s32 $0xBC00, s4;
	s7 =	sand.u32 $0x380, s7;
	s5 =	smul.u32 $0x4E2, s5  }
0x8: {  	s1 =	rddreg [dreg:$0x1];
	_ =	strace $0x80000047;
	s6 =	sor.u32 s7, s6  }
0x9: {  	s31 =	sshrl.u32 s30, $0x1;
	s5 =	sadd.s32 s5, s4;
	s6 =	sshrl.u32 s6, $0x3  }
0xa: {  	s7 =	ssub.s32 s30, s31;
	s6 =	sadd.s32 s6, s4;
	s4 =	sadd.s32 $0x1E00, s5  }
0xb: {  	v0 =	vimm.f32 $1.000000000e+00;
	s5 =	sadd.s32 $0xC200, s6;
	s6 =	smax.u32 s7, $0x1;
	s7 =	simm.s32 $0x2780  }
.LBB2_1:
0xc: {  	[tilespmem:s7], [sflag:$0x1] =	stream.linear.gather [hbm4b:s3+s2], $0x2800, $0x38;
	[tilespmem:$0x4F80] =	vst v63  }
0xd: {  	_ =	swait.ge [sflag:s8], $0x2800  }
0xe: {  	[sflag:s8] =	ssyncset.done $0x0  }
0xf: {  	[sflag:s8] =	ssyncadd.s32 $0xFFFFD800  }
0x10: {  	[tilespmem:s2], [sflag:$0x1] =	stream.linear.gather [hbm4b:s4+s2], $0x2710, $0x38;
	[tilespmem:$0x4F80] =	vst v63  }
0x11: {  	_ =	swait.ge [sflag:s8], $0x2710  }
0x12: {  	[sflag:s8] =	ssyncset.done $0x0  }
0x13: {  	s13 =	simm.s32 $0x0;
	s12 =	simm.s32 $0x40;
	[sflag:s8] =	ssyncadd.s32 $0xFFFFD8F0  }
.LBB2_2:
0x14: {  	p0 =	sne.s32 s12, $0x9C00;
	v1 =	vld [tilespmem:s13+$0x0];
	_ =	sdelay $0x3  }
.Ltmp0:
0x15: {  	(pc) =	sbr.rel @p0 .LBB2_2-.Ltmp0, $2  }
0x16: {  	_ =	sdelay $0x2  }
0x17: {  	s13 =	sshra.s32 s12, $0x2;
	s12 =	sadd.s32 $0x40, s12;
	[tilespmem:v1+s7+$0x0] =	vst.idx.add.f32.msk $0xffff, v0  }
0x18: {  	v1 =	vld [tilespmem:s13+$0x0];
	_ =	sdelay $0x5  }
0x19: {  	s11 =	sadd.s32 $0x1, s11  }
0x1a: {  	p0 =	sne.s32 s11, s6  }
.Ltmp1:
0x1b: {  	[tilespmem:v1+s7+$0x0] =	vst.idx.add.f32.msk $0xffff, v0;
	(pc) =	sbr.rel @p0 .LBB2_1-.Ltmp1, $4  }
0x1c: {  	[hbm4b:s5+s9] =	stream.strided.scatter [tilespmem:s7], [sflag:$0x1], $0x2800, s10, s9, $0x38;
	[tilespmem:$0x4F80] =	vst v63  }
0x1d: {  	_ =	swait.ge [sflag:s8], $0x2800  }
0x1e: {  	[sflag:s8] =	ssyncset.done $0x0  }
0x1f: {  	[sflag:s8] =	ssyncadd.s32 $0xFFFFD800  }
0x20: {  	_ =	sfence.sel $0x180000  }
0x21: {  	[bflag:$0x0] =	sbarrier.arrive $0xFFFF  }
0x22: {  	p0 =	sne.s32 s0, $0x0;
	_ =	strace $0x90000047  }
0x23: {  	s0 =	sadd.s32 @!p0 $0x100000, s1;
	[bflag:$0x2] =	sbarrier.arrive $0xFFFF  }
0x24: {  	[sflag:s0] =	ssyncadd.tile.s32 @!p0 $0x1;
	_ =	shalt  }
.Lfunc_end2:
_tile_overlayer_lowered:
.L_overlay_start_2:
0x25: {  	(tag) =	ssettag $0x2  }
0x26: {  	s0 =	rddreg [dreg:$0x0];
	s2 =	stileid.u32  }
0x27: {  	s1 =	rddreg [dreg:$0x1];
	p0 =	sne.s32 s2, $0x0  }
0x28: {  	s3 =	rddreg [dreg:$0x2];
	[bflag:$0x3] =	sbarrier.arrive $0xFFFF;
	s2 =	simm.s32 @!p0 $0x1C01  }
0x29: {  	[timem:s3], [sflag:s2] =	dma.local @!p0 [hbm:s0], s1  }
0x2a: {  	s0 =	simm.s32 @!p0 $0x1  }
0x2b: {  	_ =	swait.ge @!p0 [sflag:s0], s1  }
0x2c: {  	s1 =	ssub.s32 @!p0 $0x0, s1;
	[sflag:s0] =	ssyncset.done @!p0 $0x0  }
0x2d: {  	[sflag:s0] =	ssyncadd.s32 @!p0 s1  }
0x2e: {  	[bflag:$0x3] =	sbarrier.arrive $0xFFFF  }
0x2f: {  	_ =	shalt  }

// kernel: kernel.9.cloned.1.call-start
scs
__scs_entry_jumppad:
0x0: {  	(pc) =	sbr.rel $0x88, $3  }
0x1: {  	(tag) =	ssettag $0x0;
	lr =	simm.s32 $0x1  }
0x2: {  	[smem:$0x3F9D] =	sst lr;
	_ =	strace $0xD0000000  }
0x3: {  	_ = 	snop  }
0x4: {  	_ = 	snop  }
0x5: {  	_ = 	snop  }
0x6: {  	_ = 	snop  }
0x7: {  	_ = 	snop  }
__scs_overlays_trampoline_lowered:
0x8: {  	[smem:$0x3FAC] =	sst s0  }
0x9: {  	[smem:$0x3FAD] =	sst s1  }
0xa: {  	[smem:$0x3FAE] =	sst s2  }
0xb: {  	[smem:$0x3FAF] =	sst s3  }
0xc: {  	[smem:$0x3FB0] =	sst s4  }
0xd: {  	[smem:$0x3FB1] =	sst s5  }
0xe: {  	[smem:$0x3FB2] =	sst s6  }
0xf: {  	[smem:$0x3FB3] =	sst s7  }
0x10: {  	[smem:$0x3FB4] =	sst s8  }
0x11: {  	[smem:$0x3FB5] =	sst s9;
	s0 =	simm.s32 @!p0 $0x0  }
0x12: {  	s1 =	sld [smem:$0x3F9B];
	s0 =	simm.s32 @p0 $0x1  }
0x13: {  	[smem:$0x3FB6] =	sst s0;
	s0 =	simm.s32 @!p1 $0x0  }
0x14: {  	s2 =	sld [smem:$0x3F9A];
	s0 =	simm.s32 @p1 $0x1  }
0x15: {  	[smem:$0x3FB7] =	sst s0;
	s0 =	simm.s32 @!p2 $0x0  }
0x16: {  	s3 =	sld [smem:$0x3FDB];
	s0 =	simm.s32 @p2 $0x1  }
0x17: {  	s4 =	simm.s32 $0x1BF5;
	[smem:$0x3FB9] =	sst s0  }
0x18: {  	s0 =	sld [smem:$0x3F9C];
	_ =	swait.ge [sflag:s4], $0x0  }
0x19: {  	s7 =	sld [smem:$0x3F9D]  }
0x1a: {  	s8 =	sadd.s32 $0xFFFFE003, lr  }
0x1b: {  	s9 =	sadd.s32 $0xFFFFFEF7, lr;
	s5 =	simm.s32 $0xFFFFFFFF;
	p2 =	slt.u32 s8, $0xFFFFF086  }
0x1c: {  	p1 =	slt.u32 s9, $0xF7A;
	s5 =	simm.s32 @!p2 $0x0  }
0x1d: {  	s5 =	simm.s32 @p1 $0x1;
	p0 =	seq.s32 s7, s2  }
0x1e: {  	s7 =	smul.u32 @!p0 $0xF7A, s2;
	p2 =	seq.s32 @!p0 s5, $0x0  }
0x1f: {  	s9 =	smul.u32 $0xF7A, s1;
	s8 =	simm.s32 @!p0 $0x1BF5;
	p2 =	por !p2, p0  }
0x20: {  	[sflag:s8] =	ssyncset.s32 @!p0 $0xFFFFF086;
	s6 =	sadd.s32 @!p0 s3, s7;
	s7 =	simm.s32 @!p0 $0x108  }
0x21: {  	s3 =	sadd.s32 s3, s9;
	s6 =	sadd.s32 @!p0 $0x88, s6;
	s7 =	simm.s32 @p2 $0x1082  }
0x22: {  	[simem:s7], [sflag:s8] =	dma.local @!p0 [hbm:s6], $0xF7A  }
0x23: {  	s9 =	sor.u32 $0xD0000000, s2;
	s6 =	simm.s32 $0x108;
	_ =	swait.ge @!p0 [sflag:s8], $0x0  }
0x24: {  	s3 =	sadd.s32 $0x88, s3;
	s6 =	simm.s32 @!p1 $0x1082;
	[sflag:s4] =	ssyncset.s32 $0xFFFFF086  }
0x25: {  	[simem:s6], [sflag:s4] =	dma.local [hbm:s3], $0xF7A  }
0x26: {  	[smem:$0x3F9D] =	sst s1;
	(tag) =	ssettag s2;
	_ =	strace s9  }
0x27: {  	s1 =	sld [smem:$0x3FAD]  }
0x28: {  	s2 =	sld [smem:$0x3FAE]  }
0x29: {  	s4 =	sld [smem:$0x3FB0]  }
0x2a: {  	p0 =	seq.s32 s5, $0x0;
	s5 =	sld [smem:$0x3FB1]  }
0x2b: {  	s6 =	sld [smem:$0x3FB2]  }
0x2c: {  	s7 =	sld [smem:$0x3FB3]  }
0x2d: {  	s3 =	simm.s32 $0x108;
	s8 =	sld [smem:$0x3FB4]  }
0x2e: {  	s3 =	simm.s32 @!p0 $0x1082;
	s9 =	sld [smem:$0x3FB5]  }
0x2f: {  	lr =	sadd.s32 s0, s3;
	s0 =	sld [smem:$0x3FAC]  }
0x30: {  	s3 =	sld [smem:$0x3FAF]  }
0x31: {  	[smem:$0x3FB8] =	sst s10  }
0x32: {  	s10 =	sld [smem:$0x3FB6];
	_ =	sdelay $0x3  }
0x33: {  	p0 =	seq.s32 s10, $0x1;
	s10 =	sld [smem:$0x3FB8];
	_ =	sdelay $0x3  }
0x34: {  	[smem:$0x3FB8] =	sst s10  }
0x35: {  	s10 =	sld [smem:$0x3FB7];
	_ =	sdelay $0x3  }
0x36: {  	p1 =	seq.s32 s10, $0x1;
	s10 =	sld [smem:$0x3FB8];
	_ =	sdelay $0x3  }
0x37: {  	[smem:$0x3FB8] =	sst s10  }
0x38: {  	s10 =	sld [smem:$0x3FB9]  }
0x39: {  	_ = 	snop;
	(pc) =	sbr.ind lr, $3  }
0x3a: {  	_ = 	snop  }
0x3b: {  	_ = 	snop  }
0x3c: {  	p2 =	seq.s32 s10, $0x1;
	s10 =	sld [smem:$0x3FB8]  }
0x3d: {  	_ =	shalt  }
0x3e: {  	_ =	shalt  }
0x3f: {  	_ =	shalt  }
0x40: {  	_ =	shalt  }
0x41: {  	_ =	shalt  }
0x42: {  	_ =	shalt  }
0x43: {  	_ =	shalt  }
0x44: {  	_ =	shalt  }
0x45: {  	_ =	shalt  }
0x46: {  	_ =	shalt  }
0x47: {  	_ =	shalt  }
0x48: {  	_ =	shalt  }
0x49: {  	_ =	shalt  }
0x4a: {  	_ =	shalt  }
0x4b: {  	_ =	shalt  }
0x4c: {  	_ =	shalt  }
0x4d: {  	_ =	shalt  }
0x4e: {  	_ =	shalt  }
0x4f: {  	_ =	shalt  }
0x50: {  	_ =	shalt  }
0x51: {  	_ =	shalt  }
0x52: {  	_ =	shalt  }
0x53: {  	_ =	shalt  }
0x54: {  	_ =	shalt  }
0x55: {  	_ =	shalt  }
0x56: {  	_ =	shalt  }
0x57: {  	_ =	shalt  }
0x58: {  	_ =	shalt  }
0x59: {  	_ =	shalt  }
0x5a: {  	_ =	shalt  }
0x5b: {  	_ =	shalt  }
0x5c: {  	_ =	shalt  }
0x5d: {  	_ =	shalt  }
0x5e: {  	_ =	shalt  }
0x5f: {  	_ =	shalt  }
0x60: {  	_ =	shalt  }
0x61: {  	_ =	shalt  }
0x62: {  	_ =	shalt  }
0x63: {  	_ =	shalt  }
0x64: {  	_ =	shalt  }
0x65: {  	_ =	shalt  }
0x66: {  	_ =	shalt  }
0x67: {  	_ =	shalt  }
0x68: {  	_ =	shalt  }
0x69: {  	_ =	shalt  }
0x6a: {  	_ =	shalt  }
0x6b: {  	_ =	shalt  }
0x6c: {  	_ =	shalt  }
0x6d: {  	_ =	shalt  }
0x6e: {  	_ =	shalt  }
0x6f: {  	_ =	shalt  }
0x70: {  	_ =	shalt  }
0x71: {  	_ =	shalt  }
0x72: {  	_ =	shalt  }
0x73: {  	_ =	shalt  }
0x74: {  	_ =	shalt  }
0x75: {  	_ =	shalt  }
0x76: {  	_ =	shalt  }
0x77: {  	_ =	shalt  }
0x78: {  	_ =	shalt  }
0x79: {  	_ =	shalt  }
0x7a: {  	_ =	shalt  }
0x7b: {  	_ =	shalt  }
0x7c: {  	_ =	shalt  }
0x7d: {  	_ =	shalt  }
0x7e: {  	_ =	shalt  }
0x7f: {  	_ =	shalt  }
0x80: {  	_ =	shalt  }
0x81: {  	_ =	shalt  }
0x82: {  	_ =	shalt  }
0x83: {  	_ =	shalt  }
0x84: {  	_ =	shalt  }
0x85: {  	_ =	shalt  }
0x86: {  	_ =	shalt  }
0x87: {  	_ =	shalt  }
.Lfunc_end0:
.L_simem_size_0:
called_computation.1_lowered:
.L_overlay_start_0:
0x88: {  	s2 =	sld [smem:$0x3FD9]  }
0x89: {  	s3 =	sld [smem:$0x3FFE];
	_ =	sdelay $0x1  }
0x8a: {  	s1 =	srdreg.scid  }
0x8b: {  	s0 =	sand.u32 $0x1, s1  }
0x8c: {  	s17 =	sshll.u32 s0, $0xA;
	s2 =	sadd.s32 s3, s2  }
0x8d: {  	s2 =	sadd.s32 s2, s17  }
0x8e: {  	[smem:$0x3FC4] =	sst s2  }
0x8f: {  	_ = 	snop  }
0x90: {  	s2 =	sld [smem:$0x3FD0];
	(tm) =	ssettm $0x1  }
0x91: {  	s18 =	sld [smem:$0x3FFB];
	_ =	sdelay $0x3  }
0x92: {  	_ =	strace s18  }
0x93: {  	s3 =	sld [smem:$0x3FFC];
	_ =	sdelay $0x3  }
0x94: {  	_ =	strace s3  }
0x95: {  	s3 =	sld [smem:$0x3FFD];
	_ =	sdelay $0x3  }
0x96: {  	_ =	strace s3  }
0x97: {  	_ =	strace $0x8FFFFFFF  }
0x98: {  	s19 =	sld [smem:$0x3FDB];
	_ =	sdelay $0x1  }
0x99: {  	s4 =	simm.s32 $_scs_section_size  }
0x9a: {  	s5 =	simm.s32 $_size__tile_overlayer_lowered;
	s6 =	simm.s32 $_tile_overlayer_lowered  }
0x9b: {  	s22 =	simm.s32 $0x1BFF;
	s21 =	sshll.u32 s6, $0x1;
	s3 =	sadd.s32 s4, s19  }
0x9c: {  	s7 =	simm.s32 $0x0;
	s20 =	sshll.u32 s5, $0x1;
	s5 =	sadd.s32 s21, s3  }
0x9d: {  	[timem:s7], [sflag:s22] =	dma.local [hbm:s5], s20  }
0x9e: {  	_ =	swait.ge [sflag:s22], s20  }
0x9f: {  	s4 =	ssub.s32 $0x0, s20;
	[sflag:s22] =	ssyncset.done $0x0  }
0xa0: {  	[sflag:s22] =	ssyncadd.s32 s4;
	_ =	sdelay $0x1  }
0xa1: {  	s23 =	simm.s32 $0x1B8B  }
0xa2: {  	_ =	swait.ge [sflag:s23], $0x1  }
0xa3: {  	[sflag:s23] =	ssyncset.done $0x0  }
0xa4: {  	s25 =	simm.s32 $0x1B8E;
	s24 =	sld [smem:$0x3FFE];
	[sflag:s23] =	ssyncadd.s32 $0xFFFFFFFF  }
0xa5: {  	s26 =	simm.s32 $execute0_lowered;
	[smem:$0x3FD2] =	sst s25  }
0xa6: {  	s5 =	sshll.u32 s26, $0x1;
	_ =	strace $0x80000049;
	[dreg:$0x1] =	wrdreg $0xFFFFFFFF  }
0xa7: {  	s28 =	simm.s32 $_size_execute0_lowered;
	s3 =	sadd.s32 s3, s5;
	[dreg:$0x0] =	wrdreg $0x0  }
0xa8: {  	s5 =	sshll.u32 s28, $0x1;
	[dreg:$0x2] =	wrdreg s3  }
0xa9: {  	[dreg:$0x3] =	wrdreg s5  }
0xaa: {  	[dreg:$0x4] =	wrdreg $0xC0  }
0xab: {  	_ =	task [dreg:s7], $0x5FFFF  }
0xac: {  	[dreg:$0x1] =	wrdreg $0xFFFFFFFF  }
0xad: {  	[dreg:$0x0] =	wrdreg $0x60  }
0xae: {  	[dreg:$0x2] =	wrdreg s24  }
0xaf: {  	[dreg:$0x3] =	wrdreg s2  }
0xb0: {  	[dreg:$0x4] =	wrdreg $0x90000  }
0xb1: {  	[dreg:$0x5] =	wrdreg $0x9  }
0xb2: {  	_ =	task.clear_ibuf [dreg:s7], $0x6FFFF;
	_ =	strace $0x90000049  }
0xb3: {  	s29 =	simm.s32 $0x9;
	_ =	strace $0x8000004B  }
0xb4: {  	_ =	swait.ge [sflag:s29], $0x1  }
0xb5: {  	[sflag:s29] =	ssyncadd.s32 $0xFFFFFFFF  }
0xb6: {  	_ =	strace $0x9000004B  }
0xb7: {  	_ =	sfence  }
0xb8: {  	s30 =	sld [smem:$0x0];
	_ =	sdelay $0x2  }
0xb9: {  	s31 =	sshll.u32 s1, $0xD;
	s1 =	sshrl.u32 s1, $0x2  }
0xba: {  	s3 =	sand.u32 $0x4000, s31;
	s1 =	sadd.s32 s1, s30  }
0xbb: {  	s0 =	sor.u32 s3, s0;
	s1 =	sshll.u32 s1, $0x11  }
0xbc: {  	s0 =	sor.u32 s1, s0  }
0xbd: {  	s0 =	sadd.s32 $0x8F2B, s0  }
0xbe: {  	[sflag:s0] =	ssyncadd.remote.s32 $0x1  }
0xbf: {  	_ =	sfence.sel $0xFFFF  }
0xc0: {  	[dreg:$0x0] =	wrdreg $0xFFFFFFFF;
	(pc) =	sbr.abs _section_cstart, $3  }
0xc1: {  	[dreg:$0x1] =	wrdreg $0xFFFFFFFF  }
0xc2: {  	_ =	task.clear_ibuf [dreg:s7], $0x2FFFF;
	_ =	strace $0x9FFFFFFF  }
0xc3: {  	(tm) =	ssettm $0x7FFFFFFF  }
tec
execute0_lowered:
.L_overlay_start_1:
0x0: {  	(tag) =	ssettag $0x1  }
0x1: {  	s0 =	rddreg [dreg:$0x0]  }
0x2: {  	s1 =	rddreg [dreg:$0x1]  }
0x3: {  	s3 =	srdreg.scid;
	s10 =	stileid.u32  }
0x4: {  	s2 =	rddreg [dreg:$0x2];
	s13 =	simm.s32 $0x100;
	s14 =	simm.s32 $0x880  }
0x5: {  	s16 =	simm.s32 $0x180;
	s17 =	simm.s32 $0x900;
	s18 =	simm.s32 $0x200  }
0x6: {  	s20 =	simm.s32 $0x980;
	s5 =	sand.u32 $0x1, s3;
	s3 =	simm.s32 $0x0  }
0x7: {  	s21 =	simm.s32 $0x280;
	s9 =	sadd.s32 $0x1E00, s0;
	[smem:$0x7FF] =	sst s3  }
0x8: {  	s22 =	simm.s32 $0xA00;
	_ =	strace $0x8000004A;
	[dreg:$0x12] =	wrdreg s9  }
0x9: {  	s23 =	simm.s32 $0x300;
	s24 =	simm.s32 $0xA80;
	[dreg:$0x6] =	wrdreg s13  }
0xa: {  	s25 =	simm.s32 $0x380;
	s28 =	simm.s32 $0x680;
	[dreg:$0x7] =	wrdreg s14  }
0xb: {  	s29 =	simm.s32 $0xE00;
	s4 =	smul.u32 $0x5, s10;
	[dreg:$0x8] =	wrdreg s16  }
0xc: {  	s30 =	simm.s32 $0x700;
	s8 =	smul.u32 $0x14000, s10;
	[dreg:$0x9] =	wrdreg s17  }
0xd: {  	s31 =	simm.s32 $0xE80;
	s11 =	smul.u32 $0x50000, s10;
	[dreg:$0xa] =	wrdreg s18  }
0xe: {  	s15 =	sshll.u32 s10, $0x6;
	s10 =	simm.s32 $0x3;
	[dreg:$0xb] =	wrdreg s20  }
0xf: {  	s6 =	smul.u32 $0x140000, s5;
	p0 =	seq.s32 s5, $0x0;
	[dreg:$0xc] =	wrdreg s21  }
0x10: {  	s5 =	ssub.s32 $0x2, s5;
	s7 =	sadd.s32 $0x50, s4;
	[dreg:$0xd] =	wrdreg s22  }
0x11: {  	s9 =	sshrl.u32 s5, $0x1;
	s12 =	sshrl.u32 s11, $0x2;
	[dreg:$0xe] =	wrdreg s23  }
0x12: {  	s11 =	simm.s32 $0x800;
	s13 =	simm.s32 $0x1000;
	[dreg:$0xf] =	wrdreg s24  }
0x13: {  	s14 =	simm.s32 $0x5000;
	[dreg:$0x10] =	wrdreg s25;
	s16 =	simm.s32 $0x2  }
0x14: {  	s17 =	simm.s32 $0x400;
	s18 =	simm.s32 $0xB80;
	s20 =	simm.s32 $0xC00  }
0x15: {  	s21 =	simm.s32 $0x500;
	s22 =	simm.s32 $0xC80;
	s23 =	simm.s32 $0x580  }
0x16: {  	s24 =	simm.s32 $0xD00;
	s25 =	simm.s32 $0x600;
	s7 =	smov.u32 @p0 s4  }
0x17: {  	s6 =	sadd.s32 s8, s6;
	s4 =	sadd.s32 $0x20200, s0;
	s5 =	ssub.s32 s5, s9  }
0x18: {  	s9 =	simm.s32 $0x0;
	s7 =	sshll.u32 s7, $0x8;
	s6 =	sshrl.u32 s6, $0x3  }
0x19: {  	s19 =	smax.u32 s5, $0x1;
	s5 =	simm.s32 $0xF80;
	s26 =	sadd.s32 s7, s0  }
0x1a: {  	s0 =	sadd.s32 s6, s0;
	s1 =	sadd.s32 s7, s1;
	[dreg:$0x15] =	wrdreg s19  }
0x1b: {  	s6 =	sadd.s32 s12, s2;
	s7 =	sor.u32 $0x1C03, s15;
	[dreg:$0x5] =	wrdreg s1  }
0x1c: {  	s12 =	simm.s32 $0x80;
	s8 =	sadd.s32 $0x16200, s26;
	[dreg:$0x13] =	wrdreg s7  }
0x1d: {  	s15 =	simm.s32 $0x1;
	s0 =	sadd.s32 $0x48200, s0;
	[dreg:$0x4] =	wrdreg s8  }
0x1e: {  	s19 =	simm.s32 $0x480;
	s26 =	simm.s32 $0xB00;
	[dreg:$0x14] =	wrdreg s0  }
0x1f: {  	s1 =	simm.s32 $0x780;
	s8 =	sshrl.u32 s6, $0x3;
	[dreg:$0x11] =	wrdreg s26  }
0x20: {  	s26 =	simm.s32 $0xD80;
	s0 =	simm.s32 $0xF00;
	[dreg:$0x16] =	wrdreg s8  }
.LBB2_1:
0x21: {  	[dreg:$0x17] =	wrdreg s9  }
0x22: {  	s6 =	rddreg [dreg:$0x12]  }
0x23: {  	[spmem:s8], [sflag:s7] =	dma.local [hbm:s6], $0x2800  }
0x24: {  	_ =	swait.ge [sflag:s10], $0x2800  }
0x25: {  	[sflag:s10] =	ssyncset.done $0x0  }
0x26: {  	[sflag:s10] =	ssyncadd.s32 $0xFFFFD800  }
0x27: {  	[bflag:$0x0] =	sbarrier.arrive $0xFFFF  }
0x28: {  	s8 =	rddreg [dreg:$0x5]  }
0x29: {  	s6 =	sadd.s32 $0x0, s8  }
0x2a: {  	[tilespmem:s3], [sflag:$0x3] =	stream.linear.gather [hbm4b:s6+s3], $0x800, $0x38;
	[tilespmem:$0x1D000] =	vst v63  }
0x2b: {  	_ =	swait.ge [sflag:s10], $0x800  }
0x2c: {  	s9 =	rddreg [dreg:$0x4];
	[sflag:s10] =	ssyncset.done $0x0  }
0x2d: {  	[sflag:s10] =	ssyncadd.s32 $0xFFFFF800;
	s6 =	sadd.s32 $0x0, s9  }
0x2e: {  	[tilespmem:s11], [sflag:$0x3] =	stream.linear.gather [hbm4b:s6+s3], $0x800, $0x38;
	[tilespmem:$0x1D000] =	vst v63  }
0x2f: {  	_ =	swait.ge [sflag:s10], $0x800  }
0x30: {  	[sflag:s10] =	ssyncset.done $0x0  }
0x31: {  	[sflag:s10] =	ssyncadd.s32 $0xFFFFF800  }
0x32: {  	[tilespmem:s13], [sflag:$0x1] =	stream.indirect.gather [hbm4b:s4+s12], $0x80, s3, s12, $0xb8;
	[tilespmem:$0x1D000] =	vst v63  }
0x33: {  	_ = 	snop  }
0x34: {  	[tilespmem:s14], [sflag:$0x2] =	stream.indirect.gather [hbm4b:s4+s12], $0x80, s12, s12, $0xb8;
	[tilespmem:$0x1D000] =	vst v63  }
0x35: {  	_ =	swait.ge [sflag:s15], $0x4000  }
0x36: {  	[sflag:s15] =	ssyncset.done $0x0  }
0x37: {  	[sflag:s15] =	ssyncadd.s32 $0xFFFFC000  }
0x38: {  	[spmem:s2] =	stream.indirect.scatter.add.f32 [tilespmem:s13], [sflag:$0x3], $0x80, s11, s12, $0xb8;
	[tilespmem:$0x1D000] =	vst v63  }
0x39: {  	_ =	swait.ge [sflag:s10], $0x4000  }
0x3a: {  	[sflag:s10] =	ssyncset.done $0x0  }
0x3b: {  	s7 =	rddreg [dreg:$0x6];
	[sflag:s10] =	ssyncadd.s32 $0xFFFFC000  }
0x3c: {  	[tilespmem:s13], [sflag:$0x1] =	stream.indirect.gather [hbm4b:s4+s12], $0x80, s7, s12, $0xb8;
	[tilespmem:$0x1D000] =	vst v63  }
0x3d: {  	_ =	swait.ge [sflag:s16], $0x4000  }
0x3e: {  	[sflag:s16] =	ssyncset.done $0x0  }
0x3f: {  	s8 =	rddreg [dreg:$0x7];
	[sflag:s16] =	ssyncadd.s32 $0xFFFFC000  }
0x40: {  	[spmem:s2] =	stream.indirect.scatter.add.f32 [tilespmem:s14], [sflag:$0x3], $0x80, s8, s12, $0xb8;
	[tilespmem:$0x1D000] =	vst v63  }
0x41: {  	_ =	swait.ge [sflag:s10], $0x4000  }
0x42: {  	[sflag:s10] =	ssyncset.done $0x0  }
0x43: {  	s9 =	rddreg [dreg:$0x8];
	[sflag:s10] =	ssyncadd.s32 $0xFFFFC000  }
0x44: {  	[tilespmem:s14], [sflag:$0x2] =	stream.indirect.gather [hbm4b:s4+s12], $0x80, s9, s12, $0xb8;
	[tilespmem:$0x1D000] =	vst v63  }
0x45: {  	_ =	swait.ge [sflag:s15], $0x4000  }
0x46: {  	[sflag:s15] =	ssyncset.done $0x0  }
0x47: {  	s7 =	rddreg [dreg:$0x9];
	[sflag:s15] =	ssyncadd.s32 $0xFFFFC000  }
0x48: {  	[spmem:s2] =	stream.indirect.scatter.add.f32 [tilespmem:s13], [sflag:$0x3], $0x80, s7, s12, $0xb8;
	[tilespmem:$0x1D000] =	vst v63  }
0x49: {  	_ =	swait.ge [sflag:s10], $0x4000  }
0x4a: {  	[sflag:s10] =	ssyncset.done $0x0  }
0x4b: {  	s8 =	rddreg [dreg:$0xa];
	[sflag:s10] =	ssyncadd.s32 $0xFFFFC000  }
0x4c: {  	[tilespmem:s13], [sflag:$0x1] =	stream.indirect.gather [hbm4b:s4+s12], $0x80, s8, s12, $0xb8;
	[tilespmem:$0x1D000] =	vst v63  }
0x4d: {  	_ =	swait.ge [sflag:s16], $0x4000  }
0x4e: {  	[sflag:s16] =	ssyncset.done $0x0  }
0x4f: {  	s9 =	rddreg [dreg:$0xb];
	[sflag:s16] =	ssyncadd.s32 $0xFFFFC000  }
0x50: {  	[spmem:s2] =	stream.indirect.scatter.add.f32 [tilespmem:s14], [sflag:$0x3], $0x80, s9, s12, $0xb8;
	[tilespmem:$0x1D000] =	vst v63  }
0x51: {  	_ =	swait.ge [sflag:s10], $0x4000  }
0x52: {  	[sflag:s10] =	ssyncset.done $0x0  }
0x53: {  	s7 =	rddreg [dreg:$0xc];
	[sflag:s10] =	ssyncadd.s32 $0xFFFFC000  }
0x54: {  	[tilespmem:s14], [sflag:$0x2] =	stream.indirect.gather [hbm4b:s4+s12], $0x80, s7, s12, $0xb8;
	[tilespmem:$0x1D000] =	vst v63  }
0x55: {  	_ =	swait.ge [sflag:s15], $0x4000  }
0x56: {  	[sflag:s15] =	ssyncset.done $0x0  }
0x57: {  	s8 =	rddreg [dreg:$0xd];
	[sflag:s15] =	ssyncadd.s32 $0xFFFFC000  }
0x58: {  	[spmem:s2] =	stream.indirect.scatter.add.f32 [tilespmem:s13], [sflag:$0x3], $0x80, s8, s12, $0xb8;
	[tilespmem:$0x1D000] =	vst v63  }
0x59: {  	_ =	swait.ge [sflag:s10], $0x4000  }
0x5a: {  	[sflag:s10] =	ssyncset.done $0x0  }
0x5b: {  	s9 =	rddreg [dreg:$0xe];
	[sflag:s10] =	ssyncadd.s32 $0xFFFFC000  }
0x5c: {  	[tilespmem:s13], [sflag:$0x1] =	stream.indirect.gather [hbm4b:s4+s12], $0x80, s9, s12, $0xb8;
	[tilespmem:$0x1D000] =	vst v63  }
0x5d: {  	_ =	swait.ge [sflag:s16], $0x4000  }
0x5e: {  	[sflag:s16] =	ssyncset.done $0x0  }
0x5f: {  	s7 =	rddreg [dreg:$0xf];
	[sflag:s16] =	ssyncadd.s32 $0xFFFFC000  }
0x60: {  	[spmem:s2] =	stream.indirect.scatter.add.f32 [tilespmem:s14], [sflag:$0x3], $0x80, s7, s12, $0xb8;
	[tilespmem:$0x1D000] =	vst v63  }
0x61: {  	_ =	swait.ge [sflag:s10], $0x4000  }
0x62: {  	[sflag:s10] =	ssyncset.done $0x0  }
0x63: {  	s8 =	rddreg [dreg:$0x10];
	[sflag:s10] =	ssyncadd.s32 $0xFFFFC000  }
0x64: {  	[tilespmem:s14], [sflag:$0x2] =	stream.indirect.gather [hbm4b:s4+s12], $0x80, s8, s12, $0xb8;
	[tilespmem:$0x1D000] =	vst v63  }
0x65: {  	_ =	swait.ge [sflag:s15], $0x4000  }
0x66: {  	[sflag:s15] =	ssyncset.done $0x0  }
0x67: {  	s9 =	rddreg [dreg:$0x11];
	[sflag:s15] =	ssyncadd.s32 $0xFFFFC000  }
0x68: {  	[spmem:s2] =	stream.indirect.scatter.add.f32 [tilespmem:s13], [sflag:$0x3], $0x80, s9, s12, $0xb8;
	[tilespmem:$0x1D000] =	vst v63  }
0x69: {  	_ =	swait.ge [sflag:s10], $0x4000  }
0x6a: {  	[sflag:s10] =	ssyncset.done $0x0  }
0x6b: {  	[sflag:s10] =	ssyncadd.s32 $0xFFFFC000  }
0x6c: {  	[tilespmem:s13], [sflag:$0x1] =	stream.indirect.gather [hbm4b:s4+s12], $0x80, s17, s12, $0xb8;
	[tilespmem:$0x1D000] =	vst v63  }
0x6d: {  	_ =	swait.ge [sflag:s16], $0x4000  }
0x6e: {  	[sflag:s16] =	ssyncset.done $0x0  }
0x6f: {  	[sflag:s16] =	ssyncadd.s32 $0xFFFFC000  }
0x70: {  	[spmem:s2] =	stream.indirect.scatter.add.f32 [tilespmem:s14], [sflag:$0x3], $0x80, s18, s12, $0xb8;
	[tilespmem:$0x1D000] =	vst v63  }
0x71: {  	_ =	swait.ge [sflag:s10], $0x4000  }
0x72: {  	[sflag:s10] =	ssyncset.done $0x0  }
0x73: {  	[sflag:s10] =	ssyncadd.s32 $0xFFFFC000  }
0x74: {  	[tilespmem:s14], [sflag:$0x2] =	stream.indirect.gather [hbm4b:s4+s12], $0x80, s19, s12, $0xb8;
	[tilespmem:$0x1D000] =	vst v63  }
0x75: {  	_ =	swait.ge [sflag:s15], $0x4000  }
0x76: {  	[sflag:s15] =	ssyncset.done $0x0  }
0x77: {  	[sflag:s15] =	ssyncadd.s32 $0xFFFFC000  }
0x78: {  	[spmem:s2] =	stream.indirect.scatter.add.f32 [tilespmem:s13], [sflag:$0x3], $0x80, s20, s12, $0xb8;
	[tilespmem:$0x1D000] =	vst v63  }
0x79: {  	_ =	swait.ge [sflag:s10], $0x4000  }
0x7a: {  	[sflag:s10] =	ssyncset.done $0x0  }
0x7b: {  	[sflag:s10] =	ssyncadd.s32 $0xFFFFC000  }
0x7c: {  	[tilespmem:s13], [sflag:$0x1] =	stream.indirect.gather [hbm4b:s4+s12], $0x80, s21, s12, $0xb8;
	[tilespmem:$0x1D000] =	vst v63  }
0x7d: {  	_ =	swait.ge [sflag:s16], $0x4000  }
0x7e: {  	[sflag:s16] =	ssyncset.done $0x0  }
0x7f: {  	[sflag:s16] =	ssyncadd.s32 $0xFFFFC000  }
0x80: {  	[spmem:s2] =	stream.indirect.scatter.add.f32 [tilespmem:s14], [sflag:$0x3], $0x80, s22, s12, $0xb8;
	[tilespmem:$0x1D000] =	vst v63  }
0x81: {  	_ =	swait.ge [sflag:s10], $0x4000  }
0x82: {  	[sflag:s10] =	ssyncset.done $0x0  }
0x83: {  	[sflag:s10] =	ssyncadd.s32 $0xFFFFC000  }
0x84: {  	[tilespmem:s14], [sflag:$0x2] =	stream.indirect.gather [hbm4b:s4+s12], $0x80, s23, s12, $0xb8;
	[tilespmem:$0x1D000] =	vst v63  }
0x85: {  	_ =	swait.ge [sflag:s15], $0x4000  }
0x86: {  	[sflag:s15] =	ssyncset.done $0x0  }
0x87: {  	[sflag:s15] =	ssyncadd.s32 $0xFFFFC000  }
0x88: {  	[spmem:s2] =	stream.indirect.scatter.add.f32 [tilespmem:s13], [sflag:$0x3], $0x80, s24, s12, $0xb8;
	[tilespmem:$0x1D000] =	vst v63  }
0x89: {  	_ =	swait.ge [sflag:s10], $0x4000  }
0x8a: {  	[sflag:s10] =	ssyncset.done $0x0  }
0x8b: {  	[sflag:s10] =	ssyncadd.s32 $0xFFFFC000  }
0x8c: {  	[tilespmem:s13], [sflag:$0x1] =	stream.indirect.gather [hbm4b:s4+s12], $0x80, s25, s12, $0xb8;
	[tilespmem:$0x1D000] =	vst v63  }
0x8d: {  	_ =	swait.ge [sflag:s16], $0x4000  }
0x8e: {  	[sflag:s16] =	ssyncset.done $0x0  }
0x8f: {  	[sflag:s16] =	ssyncadd.s32 $0xFFFFC000  }
0x90: {  	[spmem:s2] =	stream.indirect.scatter.add.f32 [tilespmem:s14], [sflag:$0x3], $0x80, s26, s12, $0xb8;
	[tilespmem:$0x1D000] =	vst v63  }
0x91: {  	_ =	swait.ge [sflag:s10], $0x4000  }
0x92: {  	[sflag:s10] =	ssyncset.done $0x0  }
0x93: {  	[sflag:s10] =	ssyncadd.s32 $0xFFFFC000  }
0x94: {  	[tilespmem:s14], [sflag:$0x2] =	stream.indirect.gather [hbm4b:s4+s12], $0x80, s28, s12, $0xb8;
	[tilespmem:$0x1D000] =	vst v63  }
0x95: {  	_ =	swait.ge [sflag:s15], $0x4000  }
0x96: {  	[sflag:s15] =	ssyncset.done $0x0  }
0x97: {  	[sflag:s15] =	ssyncadd.s32 $0xFFFFC000  }
0x98: {  	[spmem:s2] =	stream.indirect.scatter.add.f32 [tilespmem:s13], [sflag:$0x3], $0x80, s29, s12, $0xb8;
	[tilespmem:$0x1D000] =	vst v63  }
0x99: {  	_ =	swait.ge [sflag:s10], $0x4000  }
0x9a: {  	[sflag:s10] =	ssyncset.done $0x0  }
0x9b: {  	[sflag:s10] =	ssyncadd.s32 $0xFFFFC000  }
0x9c: {  	[tilespmem:s13], [sflag:$0x1] =	stream.indirect.gather [hbm4b:s4+s12], $0x80, s30, s12, $0xb8;
	[tilespmem:$0x1D000] =	vst v63  }
0x9d: {  	_ =	swait.ge [sflag:s16], $0x4000  }
0x9e: {  	[sflag:s16] =	ssyncset.done $0x0  }
0x9f: {  	[sflag:s16] =	ssyncadd.s32 $0xFFFFC000  }
0xa0: {  	[spmem:s2] =	stream.indirect.scatter.add.f32 [tilespmem:s14], [sflag:$0x3], $0x80, s31, s12, $0xb8;
	[tilespmem:$0x1D000] =	vst v63  }
0xa1: {  	_ =	swait.ge [sflag:s10], $0x4000  }
0xa2: {  	[sflag:s10] =	ssyncset.done $0x0  }
0xa3: {  	[sflag:s10] =	ssyncadd.s32 $0xFFFFC000  }
0xa4: {  	[tilespmem:s14], [sflag:$0x2] =	stream.indirect.gather [hbm4b:s4+s12], $0x80, s1, s12, $0xb8;
	[tilespmem:$0x1D000] =	vst v63  }
0xa5: {  	_ =	swait.ge [sflag:s15], $0x4000  }
0xa6: {  	[sflag:s15] =	ssyncset.done $0x0  }
0xa7: {  	[sflag:s15] =	ssyncadd.s32 $0xFFFFC000  }
0xa8: {  	[spmem:s2] =	stream.indirect.scatter.add.f32 [tilespmem:s13], [sflag:$0x3], $0x80, s0, s12, $0xb8;
	[tilespmem:$0x1D000] =	vst v63  }
0xa9: {  	_ =	swait.ge [sflag:s10], $0x4000  }
0xaa: {  	[sflag:s10] =	ssyncset.done $0x0  }
0xab: {  	[sflag:s10] =	ssyncadd.s32 $0xFFFFC000  }
0xac: {  	_ =	swait.ge [sflag:s16], $0x4000  }
0xad: {  	[sflag:s16] =	ssyncset.done $0x0  }
0xae: {  	[sflag:s16] =	ssyncadd.s32 $0xFFFFC000  }
0xaf: {  	[spmem:s2] =	stream.indirect.scatter.add.f32 [tilespmem:s14], [sflag:$0x3], $0x80, s5, s12, $0xb8;
	[tilespmem:$0x1D000] =	vst v63  }
0xb0: {  	s6 =	simm.s32 $0x200;
	_ =	swait.ge [sflag:s10], $0x4000  }
0xb1: {  	s8 =	simm.s32 $0x100;
	s9 =	rddreg [dreg:$0x5];
	[sflag:s10] =	ssyncset.done $0x0  }
.LBB2_2:
0xb2: {  	[sflag:s10] =	ssyncadd.s32 $0xFFFFC000;
	s9 =	sadd.s32 s8, s9  }
0xb3: {  	[tilespmem:s3], [sflag:$0x3] =	stream.linear.gather [hbm4b:s9+s3], $0x800, $0x38;
	[tilespmem:$0x1D000] =	vst v63  }
0xb4: {  	_ =	swait.ge [sflag:s10], $0x800  }
0xb5: {  	s9 =	rddreg [dreg:$0x4];
	[sflag:s10] =	ssyncset.done $0x0  }
0xb6: {  	[sflag:s10] =	ssyncadd.s32 $0xFFFFF800;
	s9 =	sadd.s32 s8, s9  }
0xb7: {  	[tilespmem:s11], [sflag:$0x3] =	stream.linear.gather [hbm4b:s9+s3], $0x800, $0x38;
	[tilespmem:$0x1D000] =	vst v63  }
0xb8: {  	_ =	swait.ge [sflag:s10], $0x800  }
0xb9: {  	[sflag:s10] =	ssyncset.done $0x0  }
0xba: {  	[sflag:s10] =	ssyncadd.s32 $0xFFFFF800  }
0xbb: {  	[tilespmem:s13], [sflag:$0x1] =	stream.indirect.gather [hbm4b:s4+s12], $0x80, s3, s12, $0xb8;
	[tilespmem:$0x1D000] =	vst v63  }
0xbc: {  	_ = 	snop  }
0xbd: {  	[tilespmem:s14], [sflag:$0x2] =	stream.indirect.gather [hbm4b:s4+s12], $0x80, s12, s12, $0xb8;
	[tilespmem:$0x1D000] =	vst v63  }
0xbe: {  	_ =	swait.ge [sflag:s15], $0x4000  }
0xbf: {  	[sflag:s15] =	ssyncset.done $0x0  }
0xc0: {  	[sflag:s15] =	ssyncadd.s32 $0xFFFFC000  }
0xc1: {  	[spmem:s2] =	stream.indirect.scatter.add.f32 [tilespmem:s13], [sflag:$0x3], $0x80, s11, s12, $0xb8;
	[tilespmem:$0x1D000] =	vst v63  }
0xc2: {  	_ =	swait.ge [sflag:s10], $0x4000  }
0xc3: {  	[sflag:s10] =	ssyncset.done $0x0  }
0xc4: {  	s9 =	rddreg [dreg:$0x6];
	[sflag:s10] =	ssyncadd.s32 $0xFFFFC000  }
0xc5: {  	[tilespmem:s13], [sflag:$0x1] =	stream.indirect.gather [hbm4b:s4+s12], $0x80, s9, s12, $0xb8;
	[tilespmem:$0x1D000] =	vst v63  }
0xc6: {  	_ =	swait.ge [sflag:s16], $0x4000  }
0xc7: {  	[sflag:s16] =	ssyncset.done $0x0  }
0xc8: {  	s9 =	rddreg [dreg:$0x7];
	[sflag:s16] =	ssyncadd.s32 $0xFFFFC000  }
0xc9: {  	[spmem:s2] =	stream.indirect.scatter.add.f32 [tilespmem:s14], [sflag:$0x3], $0x80, s9, s12, $0xb8;
	[tilespmem:$0x1D000] =	vst v63  }
0xca: {  	_ =	swait.ge [sflag:s10], $0x4000  }
0xcb: {  	[sflag:s10] =	ssyncset.done $0x0  }
0xcc: {  	s9 =	rddreg [dreg:$0x8];
	[sflag:s10] =	ssyncadd.s32 $0xFFFFC000  }
0xcd: {  	[tilespmem:s14], [sflag:$0x2] =	stream.indirect.gather [hbm4b:s4+s12], $0x80, s9, s12, $0xb8;
	[tilespmem:$0x1D000] =	vst v63  }
0xce: {  	_ =	swait.ge [sflag:s15], $0x4000  }
0xcf: {  	[sflag:s15] =	ssyncset.done $0x0  }
0xd0: {  	s9 =	rddreg [dreg:$0x9];
	[sflag:s15] =	ssyncadd.s32 $0xFFFFC000  }
0xd1: {  	[spmem:s2] =	stream.indirect.scatter.add.f32 [tilespmem:s13], [sflag:$0x3], $0x80, s9, s12, $0xb8;
	[tilespmem:$0x1D000] =	vst v63  }
0xd2: {  	_ =	swait.ge [sflag:s10], $0x4000  }
0xd3: {  	[sflag:s10] =	ssyncset.done $0x0  }
0xd4: {  	s9 =	rddreg [dreg:$0xa];
	[sflag:s10] =	ssyncadd.s32 $0xFFFFC000  }
0xd5: {  	[tilespmem:s13], [sflag:$0x1] =	stream.indirect.gather [hbm4b:s4+s12], $0x80, s9, s12, $0xb8;
	[tilespmem:$0x1D000] =	vst v63  }
0xd6: {  	_ =	swait.ge [sflag:s16], $0x4000  }
0xd7: {  	[sflag:s16] =	ssyncset.done $0x0  }
0xd8: {  	s9 =	rddreg [dreg:$0xb];
	[sflag:s16] =	ssyncadd.s32 $0xFFFFC000  }
0xd9: {  	[spmem:s2] =	stream.indirect.scatter.add.f32 [tilespmem:s14], [sflag:$0x3], $0x80, s9, s12, $0xb8;
	[tilespmem:$0x1D000] =	vst v63  }
0xda: {  	_ =	swait.ge [sflag:s10], $0x4000  }
0xdb: {  	[sflag:s10] =	ssyncset.done $0x0  }
0xdc: {  	s9 =	rddreg [dreg:$0xc];
	[sflag:s10] =	ssyncadd.s32 $0xFFFFC000  }
0xdd: {  	[tilespmem:s14], [sflag:$0x2] =	stream.indirect.gather [hbm4b:s4+s12], $0x80, s9, s12, $0xb8;
	[tilespmem:$0x1D000] =	vst v63  }
0xde: {  	_ =	swait.ge [sflag:s15], $0x4000  }
0xdf: {  	[sflag:s15] =	ssyncset.done $0x0  }
0xe0: {  	s9 =	rddreg [dreg:$0xd];
	[sflag:s15] =	ssyncadd.s32 $0xFFFFC000  }
0xe1: {  	[spmem:s2] =	stream.indirect.scatter.add.f32 [tilespmem:s13], [sflag:$0x3], $0x80, s9, s12, $0xb8;
	[tilespmem:$0x1D000] =	vst v63  }
0xe2: {  	_ =	swait.ge [sflag:s10], $0x4000  }
0xe3: {  	[sflag:s10] =	ssyncset.done $0x0  }
0xe4: {  	s9 =	rddreg [dreg:$0xe];
	[sflag:s10] =	ssyncadd.s32 $0xFFFFC000  }
0xe5: {  	[tilespmem:s13], [sflag:$0x1] =	stream.indirect.gather [hbm4b:s4+s12], $0x80, s9, s12, $0xb8;
	[tilespmem:$0x1D000] =	vst v63  }
0xe6: {  	_ =	swait.ge [sflag:s16], $0x4000  }
0xe7: {  	[sflag:s16] =	ssyncset.done $0x0  }
0xe8: {  	s9 =	rddreg [dreg:$0xf];
	[sflag:s16] =	ssyncadd.s32 $0xFFFFC000  }
0xe9: {  	[spmem:s2] =	stream.indirect.scatter.add.f32 [tilespmem:s14], [sflag:$0x3], $0x80, s9, s12, $0xb8;
	[tilespmem:$0x1D000] =	vst v63  }
0xea: {  	_ =	swait.ge [sflag:s10], $0x4000  }
0xeb: {  	[sflag:s10] =	ssyncset.done $0x0  }
0xec: {  	s9 =	rddreg [dreg:$0x10];
	[sflag:s10] =	ssyncadd.s32 $0xFFFFC000  }
0xed: {  	[tilespmem:s14], [sflag:$0x2] =	stream.indirect.gather [hbm4b:s4+s12], $0x80, s9, s12, $0xb8;
	[tilespmem:$0x1D000] =	vst v63  }
0xee: {  	_ =	swait.ge [sflag:s15], $0x4000  }
0xef: {  	[sflag:s15] =	ssyncset.done $0x0  }
0xf0: {  	s9 =	rddreg [dreg:$0x11];
	[sflag:s15] =	ssyncadd.s32 $0xFFFFC000  }
0xf1: {  	[spmem:s2] =	stream.indirect.scatter.add.f32 [tilespmem:s13], [sflag:$0x3], $0x80, s9, s12, $0xb8;
	[tilespmem:$0x1D000] =	vst v63  }
0xf2: {  	_ =	swait.ge [sflag:s10], $0x4000  }
0xf3: {  	[sflag:s10] =	ssyncset.done $0x0  }
0xf4: {  	[sflag:s10] =	ssyncadd.s32 $0xFFFFC000  }
0xf5: {  	[tilespmem:s13], [sflag:$0x1] =	stream.indirect.gather [hbm4b:s4+s12], $0x80, s17, s12, $0xb8;
	[tilespmem:$0x1D000] =	vst v63  }
0xf6: {  	_ =	swait.ge [sflag:s16], $0x4000  }
0xf7: {  	[sflag:s16] =	ssyncset.done $0x0  }
0xf8: {  	[sflag:s16] =	ssyncadd.s32 $0xFFFFC000  }
0xf9: {  	[spmem:s2] =	stream.indirect.scatter.add.f32 [tilespmem:s14], [sflag:$0x3], $0x80, s18, s12, $0xb8;
	[tilespmem:$0x1D000] =	vst v63  }
0xfa: {  	_ =	swait.ge [sflag:s10], $0x4000  }
0xfb: {  	[sflag:s10] =	ssyncset.done $0x0  }
0xfc: {  	[sflag:s10] =	ssyncadd.s32 $0xFFFFC000  }
0xfd: {  	[tilespmem:s14], [sflag:$0x2] =	stream.indirect.gather [hbm4b:s4+s12], $0x80, s19, s12, $0xb8;
	[tilespmem:$0x1D000] =	vst v63  }
0xfe: {  	_ =	swait.ge [sflag:s15], $0x4000  }
0xff: {  	[sflag:s15] =	ssyncset.done $0x0  }
0x100: {  	[sflag:s15] =	ssyncadd.s32 $0xFFFFC000  }
0x101: {  	[spmem:s2] =	stream.indirect.scatter.add.f32 [tilespmem:s13], [sflag:$0x3], $0x80, s20, s12, $0xb8;
	[tilespmem:$0x1D000] =	vst v63  }
0x102: {  	_ =	swait.ge [sflag:s10], $0x4000  }
0x103: {  	[sflag:s10] =	ssyncset.done $0x0  }
0x104: {  	[sflag:s10] =	ssyncadd.s32 $0xFFFFC000  }
0x105: {  	[tilespmem:s13], [sflag:$0x1] =	stream.indirect.gather [hbm4b:s4+s12], $0x80, s21, s12, $0xb8;
	[tilespmem:$0x1D000] =	vst v63  }
0x106: {  	_ =	swait.ge [sflag:s16], $0x4000  }
0x107: {  	[sflag:s16] =	ssyncset.done $0x0  }
0x108: {  	[sflag:s16] =	ssyncadd.s32 $0xFFFFC000  }
0x109: {  	[spmem:s2] =	stream.indirect.scatter.add.f32 [tilespmem:s14], [sflag:$0x3], $0x80, s22, s12, $0xb8;
	[tilespmem:$0x1D000] =	vst v63  }
0x10a: {  	_ =	swait.ge [sflag:s10], $0x4000  }
0x10b: {  	[sflag:s10] =	ssyncset.done $0x0  }
0x10c: {  	[sflag:s10] =	ssyncadd.s32 $0xFFFFC000  }
0x10d: {  	[tilespmem:s14], [sflag:$0x2] =	stream.indirect.gather [hbm4b:s4+s12], $0x80, s23, s12, $0xb8;
	[tilespmem:$0x1D000] =	vst v63  }
0x10e: {  	_ =	swait.ge [sflag:s15], $0x4000  }
0x10f: {  	[sflag:s15] =	ssyncset.done $0x0  }
0x110: {  	[sflag:s15] =	ssyncadd.s32 $0xFFFFC000  }
0x111: {  	[spmem:s2] =	stream.indirect.scatter.add.f32 [tilespmem:s13], [sflag:$0x3], $0x80, s24, s12, $0xb8;
	[tilespmem:$0x1D000] =	vst v63  }
0x112: {  	_ =	swait.ge [sflag:s10], $0x4000  }
0x113: {  	[sflag:s10] =	ssyncset.done $0x0  }
0x114: {  	[sflag:s10] =	ssyncadd.s32 $0xFFFFC000  }
0x115: {  	[tilespmem:s13], [sflag:$0x1] =	stream.indirect.gather [hbm4b:s4+s12], $0x80, s25, s12, $0xb8;
	[tilespmem:$0x1D000] =	vst v63  }
0x116: {  	_ =	swait.ge [sflag:s16], $0x4000  }
0x117: {  	[sflag:s16] =	ssyncset.done $0x0  }
0x118: {  	[sflag:s16] =	ssyncadd.s32 $0xFFFFC000  }
0x119: {  	[spmem:s2] =	stream.indirect.scatter.add.f32 [tilespmem:s14], [sflag:$0x3], $0x80, s26, s12, $0xb8;
	[tilespmem:$0x1D000] =	vst v63  }
0x11a: {  	_ =	swait.ge [sflag:s10], $0x4000  }
0x11b: {  	[sflag:s10] =	ssyncset.done $0x0  }
0x11c: {  	[sflag:s10] =	ssyncadd.s32 $0xFFFFC000  }
0x11d: {  	[tilespmem:s14], [sflag:$0x2] =	stream.indirect.gather [hbm4b:s4+s12], $0x80, s28, s12, $0xb8;
	[tilespmem:$0x1D000] =	vst v63  }
0x11e: {  	_ =	swait.ge [sflag:s15], $0x4000  }
0x11f: {  	[sflag:s15] =	ssyncset.done $0x0  }
0x120: {  	[sflag:s15] =	ssyncadd.s32 $0xFFFFC000  }
0x121: {  	[spmem:s2] =	stream.indirect.scatter.add.f32 [tilespmem:s13], [sflag:$0x3], $0x80, s29, s12, $0xb8;
	[tilespmem:$0x1D000] =	vst v63  }
0x122: {  	_ =	swait.ge [sflag:s10], $0x4000  }
0x123: {  	[sflag:s10] =	ssyncset.done $0x0  }
0x124: {  	[sflag:s10] =	ssyncadd.s32 $0xFFFFC000  }
0x125: {  	[tilespmem:s13], [sflag:$0x1] =	stream.indirect.gather [hbm4b:s4+s12], $0x80, s30, s12, $0xb8;
	[tilespmem:$0x1D000] =	vst v63  }
0x126: {  	_ =	swait.ge [sflag:s16], $0x4000  }
0x127: {  	[sflag:s16] =	ssyncset.done $0x0  }
0x128: {  	[sflag:s16] =	ssyncadd.s32 $0xFFFFC000  }
0x129: {  	[spmem:s2] =	stream.indirect.scatter.add.f32 [tilespmem:s14], [sflag:$0x3], $0x80, s31, s12, $0xb8;
	[tilespmem:$0x1D000] =	vst v63  }
0x12a: {  	_ =	swait.ge [sflag:s10], $0x4000  }
0x12b: {  	[sflag:s10] =	ssyncset.done $0x0  }
0x12c: {  	[sflag:s10] =	ssyncadd.s32 $0xFFFFC000  }
0x12d: {  	[tilespmem:s14], [sflag:$0x2] =	stream.indirect.gather [hbm4b:s4+s12], $0x80, s1, s12, $0xb8;
	[tilespmem:$0x1D000] =	vst v63  }
0x12e: {  	_ =	swait.ge [sflag:s15], $0x4000  }
0x12f: {  	[sflag:s15] =	ssyncset.done $0x0  }
0x130: {  	[sflag:s15] =	ssyncadd.s32 $0xFFFFC000  }
0x131: {  	[spmem:s2] =	stream.indirect.scatter.add.f32 [tilespmem:s13], [sflag:$0x3], $0x80, s0, s12, $0xb8;
	[tilespmem:$0x1D000] =	vst v63  }
0x132: {  	_ =	swait.ge [sflag:s10], $0x4000  }
0x133: {  	[sflag:s10] =	ssyncset.done $0x0  }
0x134: {  	[sflag:s10] =	ssyncadd.s32 $0xFFFFC000  }
0x135: {  	p0 =	sne.s32 s6, $0x400;
	_ =	swait.ge [sflag:s16], $0x4000  }
.Ltmp0:
0x136: {  	[sflag:s16] =	ssyncset.done $0x0;
	(pc) =	sbr.rel @p0 .LBB2_2-.Ltmp0, $4  }
0x137: {  	[sflag:s16] =	ssyncadd.s32 $0xFFFFC000  }
0x138: {  	[spmem:s2] =	stream.indirect.scatter.add.f32 [tilespmem:s14], [sflag:$0x3], $0x80, s5, s12, $0xb8;
	[tilespmem:$0x1D000] =	vst v63  }
0x139: {  	s7 =	smov.u32 s6;
	s6 =	sadd.s32 $0x100, s6;
	_ =	swait.ge [sflag:s10], $0x4000  }
0x13a: {  	s8 =	smov.u32 s7;
	s9 =	rddreg [dreg:$0x5];
	[sflag:s10] =	ssyncset.done $0x0  }
0x13b: {  	[sflag:s10] =	ssyncadd.s32 $0xFFFFC000;
	s6 =	sadd.s32 s8, s9  }
0x13c: {  	[tilespmem:s3], [sflag:$0x3] =	stream.linear.gather [hbm4b:s6+s3], $0x800, $0x38;
	[tilespmem:$0x1D000] =	vst v63  }
0x13d: {  	_ =	swait.ge [sflag:s10], $0x800  }
0x13e: {  	s7 =	rddreg [dreg:$0x4];
	[sflag:s10] =	ssyncset.done $0x0  }
0x13f: {  	s6 =	sadd.s32 s8, s7;
	[sflag:s10] =	ssyncadd.s32 $0xFFFFF800  }
0x140: {  	[tilespmem:s11], [sflag:$0x3] =	stream.linear.gather [hbm4b:s6+s3], $0x800, $0x38;
	[tilespmem:$0x1D000] =	vst v63  }
0x141: {  	_ =	swait.ge [sflag:s10], $0x800  }
0x142: {  	[sflag:s10] =	ssyncset.done $0x0  }
0x143: {  	[sflag:s10] =	ssyncadd.s32 $0xFFFFF800  }
0x144: {  	[tilespmem:s13], [sflag:$0x1] =	stream.indirect.gather [hbm4b:s4+s12], $0x80, s3, s12, $0xb8;
	[tilespmem:$0x1D000] =	vst v63  }
0x145: {  	_ = 	snop  }
0x146: {  	[tilespmem:s14], [sflag:$0x2] =	stream.indirect.gather [hbm4b:s4+s12], $0x80, s12, s12, $0xb8;
	[tilespmem:$0x1D000] =	vst v63  }
0x147: {  	_ =	swait.ge [sflag:s15], $0x4000  }
0x148: {  	[sflag:s15] =	ssyncset.done $0x0  }
0x149: {  	[sflag:s15] =	ssyncadd.s32 $0xFFFFC000  }
0x14a: {  	[spmem:s2] =	stream.indirect.scatter.add.f32 [tilespmem:s13], [sflag:$0x3], $0x80, s11, s12, $0xb8;
	[tilespmem:$0x1D000] =	vst v63  }
0x14b: {  	_ =	swait.ge [sflag:s10], $0x4000  }
0x14c: {  	[sflag:s10] =	ssyncset.done $0x0  }
0x14d: {  	s9 =	rddreg [dreg:$0x6];
	[sflag:s10] =	ssyncadd.s32 $0xFFFFC000  }
0x14e: {  	[tilespmem:s13], [sflag:$0x1] =	stream.indirect.gather [hbm4b:s4+s12], $0x80, s9, s12, $0xb8;
	[tilespmem:$0x1D000] =	vst v63  }
0x14f: {  	_ =	swait.ge [sflag:s16], $0x4000  }
0x150: {  	[sflag:s16] =	ssyncset.done $0x0  }
0x151: {  	s7 =	rddreg [dreg:$0x7];
	[sflag:s16] =	ssyncadd.s32 $0xFFFFC000  }
0x152: {  	[spmem:s2] =	stream.indirect.scatter.add.f32 [tilespmem:s14], [sflag:$0x3], $0x80, s7, s12, $0xb8;
	[tilespmem:$0x1D000] =	vst v63  }
0x153: {  	_ =	swait.ge [sflag:s10], $0x4000  }
0x154: {  	[sflag:s10] =	ssyncset.done $0x0  }
0x155: {  	s8 =	rddreg [dreg:$0x8];
	[sflag:s10] =	ssyncadd.s32 $0xFFFFC000  }
0x156: {  	[tilespmem:s14], [sflag:$0x2] =	stream.indirect.gather [hbm4b:s4+s12], $0x80, s8, s12, $0xb8;
	[tilespmem:$0x1D000] =	vst v63  }
0x157: {  	_ =	swait.ge [sflag:s15], $0x4000  }
0x158: {  	[sflag:s15] =	ssyncset.done $0x0  }
0x159: {  	s9 =	rddreg [dreg:$0x9];
	[sflag:s15] =	ssyncadd.s32 $0xFFFFC000  }
0x15a: {  	[spmem:s2] =	stream.indirect.scatter.add.f32 [tilespmem:s13], [sflag:$0x3], $0x80, s9, s12, $0xb8;
	[tilespmem:$0x1D000] =	vst v63  }
0x15b: {  	_ =	swait.ge [sflag:s10], $0x4000  }
0x15c: {  	[sflag:s10] =	ssyncset.done $0x0  }
0x15d: {  	s7 =	rddreg [dreg:$0xa];
	[sflag:s10] =	ssyncadd.s32 $0xFFFFC000  }
0x15e: {  	[tilespmem:s13], [sflag:$0x1] =	stream.indirect.gather [hbm4b:s4+s12], $0x80, s7, s12, $0xb8;
	[tilespmem:$0x1D000] =	vst v63  }
0x15f: {  	_ =	swait.ge [sflag:s16], $0x4000  }
0x160: {  	[sflag:s16] =	ssyncset.done $0x0  }
0x161: {  	s8 =	rddreg [dreg:$0xb];
	[sflag:s16] =	ssyncadd.s32 $0xFFFFC000  }
0x162: {  	[spmem:s2] =	stream.indirect.scatter.add.f32 [tilespmem:s14], [sflag:$0x3], $0x80, s8, s12, $0xb8;
	[tilespmem:$0x1D000] =	vst v63  }
0x163: {  	_ =	swait.ge [sflag:s10], $0x4000  }
0x164: {  	[sflag:s10] =	ssyncset.done $0x0  }
0x165: {  	s9 =	rddreg [dreg:$0xc];
	[sflag:s10] =	ssyncadd.s32 $0xFFFFC000  }
0x166: {  	[tilespmem:s14], [sflag:$0x2] =	stream.indirect.gather [hbm4b:s4+s12], $0x80, s9, s12, $0xb8;
	[tilespmem:$0x1D000] =	vst v63  }
0x167: {  	_ =	swait.ge [sflag:s15], $0x4000  }
0x168: {  	[sflag:s15] =	ssyncset.done $0x0  }
0x169: {  	s7 =	rddreg [dreg:$0xd];
	[sflag:s15] =	ssyncadd.s32 $0xFFFFC000  }
0x16a: {  	[spmem:s2] =	stream.indirect.scatter.add.f32 [tilespmem:s13], [sflag:$0x3], $0x80, s7, s12, $0xb8;
	[tilespmem:$0x1D000] =	vst v63  }
0x16b: {  	_ =	swait.ge [sflag:s10], $0x4000  }
0x16c: {  	[sflag:s10] =	ssyncset.done $0x0  }
0x16d: {  	s8 =	rddreg [dreg:$0xe];
	[sflag:s10] =	ssyncadd.s32 $0xFFFFC000  }
0x16e: {  	[tilespmem:s13], [sflag:$0x1] =	stream.indirect.gather [hbm4b:s4+s12], $0x80, s8, s12, $0xb8;
	[tilespmem:$0x1D000] =	vst v63  }
0x16f: {  	_ =	swait.ge [sflag:s16], $0x4000  }
0x170: {  	[sflag:s16] =	ssyncset.done $0x0  }
0x171: {  	s9 =	rddreg [dreg:$0xf];
	[sflag:s16] =	ssyncadd.s32 $0xFFFFC000  }
0x172: {  	[spmem:s2] =	stream.indirect.scatter.add.f32 [tilespmem:s14], [sflag:$0x3], $0x80, s9, s12, $0xb8;
	[tilespmem:$0x1D000] =	vst v63  }
0x173: {  	_ =	swait.ge [sflag:s10], $0x4000  }
0x174: {  	[sflag:s10] =	ssyncset.done $0x0  }
0x175: {  	s7 =	rddreg [dreg:$0x10];
	[sflag:s10] =	ssyncadd.s32 $0xFFFFC000  }
0x176: {  	[tilespmem:s14], [sflag:$0x2] =	stream.indirect.gather [hbm4b:s4+s12], $0x80, s7, s12, $0xb8;
	[tilespmem:$0x1D000] =	vst v63  }
0x177: {  	_ =	swait.ge [sflag:s15], $0x4000  }
0x178: {  	[sflag:s15] =	ssyncset.done $0x0  }
0x179: {  	s8 =	rddreg [dreg:$0x11];
	[sflag:s15] =	ssyncadd.s32 $0xFFFFC000  }
0x17a: {  	[spmem:s2] =	stream.indirect.scatter.add.f32 [tilespmem:s13], [sflag:$0x3], $0x80, s8, s12, $0xb8;
	[tilespmem:$0x1D000] =	vst v63  }
0x17b: {  	_ =	swait.ge [sflag:s10], $0x4000  }
0x17c: {  	[sflag:s10] =	ssyncset.done $0x0  }
0x17d: {  	[sflag:s10] =	ssyncadd.s32 $0xFFFFC000  }
0x17e: {  	[tilespmem:s13], [sflag:$0x1] =	stream.indirect.gather [hbm4b:s4+s12], $0x80, s17, s12, $0xb8;
	[tilespmem:$0x1D000] =	vst v63  }
0x17f: {  	_ =	swait.ge [sflag:s16], $0x4000  }
0x180: {  	[sflag:s16] =	ssyncset.done $0x0  }
0x181: {  	[sflag:s16] =	ssyncadd.s32 $0xFFFFC000  }
0x182: {  	[spmem:s2] =	stream.indirect.scatter.add.f32 [tilespmem:s14], [sflag:$0x3], $0x80, s18, s12, $0xb8;
	[tilespmem:$0x1D000] =	vst v63  }
0x183: {  	_ =	swait.ge [sflag:s10], $0x4000  }
0x184: {  	[sflag:s10] =	ssyncset.done $0x0  }
0x185: {  	[sflag:s10] =	ssyncadd.s32 $0xFFFFC000  }
0x186: {  	[tilespmem:s14], [sflag:$0x2] =	stream.indirect.gather [hbm4b:s4+s12], $0x80, s19, s12, $0xb8;
	[tilespmem:$0x1D000] =	vst v63  }
0x187: {  	_ =	swait.ge [sflag:s15], $0x4000  }
0x188: {  	[sflag:s15] =	ssyncset.done $0x0  }
0x189: {  	[sflag:s15] =	ssyncadd.s32 $0xFFFFC000  }
0x18a: {  	[spmem:s2] =	stream.indirect.scatter.add.f32 [tilespmem:s13], [sflag:$0x3], $0x80, s20, s12, $0xb8;
	[tilespmem:$0x1D000] =	vst v63  }
0x18b: {  	_ =	swait.ge [sflag:s10], $0x4000  }
0x18c: {  	[sflag:s10] =	ssyncset.done $0x0  }
0x18d: {  	[sflag:s10] =	ssyncadd.s32 $0xFFFFC000  }
0x18e: {  	[tilespmem:s13], [sflag:$0x1] =	stream.indirect.gather [hbm4b:s4+s12], $0x80, s21, s12, $0xb8;
	[tilespmem:$0x1D000] =	vst v63  }
0x18f: {  	_ =	swait.ge [sflag:s16], $0x4000  }
0x190: {  	[sflag:s16] =	ssyncset.done $0x0  }
0x191: {  	[sflag:s16] =	ssyncadd.s32 $0xFFFFC000  }
0x192: {  	[spmem:s2] =	stream.indirect.scatter.add.f32 [tilespmem:s14], [sflag:$0x3], $0x80, s22, s12, $0xb8;
	[tilespmem:$0x1D000] =	vst v63  }
0x193: {  	_ =	swait.ge [sflag:s10], $0x4000  }
0x194: {  	[sflag:s10] =	ssyncset.done $0x0  }
0x195: {  	[sflag:s10] =	ssyncadd.s32 $0xFFFFC000  }
0x196: {  	[tilespmem:s14], [sflag:$0x2] =	stream.indirect.gather [hbm4b:s4+s12], $0x80, s23, s12, $0xb8;
	[tilespmem:$0x1D000] =	vst v63  }
0x197: {  	_ =	swait.ge [sflag:s15], $0x4000  }
0x198: {  	[sflag:s15] =	ssyncset.done $0x0  }
0x199: {  	[sflag:s15] =	ssyncadd.s32 $0xFFFFC000  }
0x19a: {  	[spmem:s2] =	stream.indirect.scatter.add.f32 [tilespmem:s13], [sflag:$0x3], $0x80, s24, s12, $0xb8;
	[tilespmem:$0x1D000] =	vst v63  }
0x19b: {  	_ =	swait.ge [sflag:s10], $0x4000  }
0x19c: {  	[sflag:s10] =	ssyncset.done $0x0  }
0x19d: {  	[sflag:s10] =	ssyncadd.s32 $0xFFFFC000  }
0x19e: {  	[tilespmem:s13], [sflag:$0x1] =	stream.indirect.gather [hbm4b:s4+s12], $0x80, s25, s12, $0xb8;
	[tilespmem:$0x1D000] =	vst v63  }
0x19f: {  	_ =	swait.ge [sflag:s16], $0x4000  }
0x1a0: {  	[sflag:s16] =	ssyncset.done $0x0  }
0x1a1: {  	[sflag:s16] =	ssyncadd.s32 $0xFFFFC000  }
0x1a2: {  	[spmem:s2] =	stream.indirect.scatter.add.f32 [tilespmem:s14], [sflag:$0x3], $0x80, s26, s12, $0xb8;
	[tilespmem:$0x1D000] =	vst v63  }
0x1a3: {  	_ =	swait.ge [sflag:s10], $0x4000  }
0x1a4: {  	[sflag:s10] =	ssyncset.done $0x0  }
0x1a5: {  	[sflag:s10] =	ssyncadd.s32 $0xFFFFC000  }
0x1a6: {  	[tilespmem:s14], [sflag:$0x2] =	stream.indirect.gather [hbm4b:s4+s12], $0x80, s28, s12, $0xb8;
	[tilespmem:$0x1D000] =	vst v63  }
0x1a7: {  	_ =	swait.ge [sflag:s15], $0x4000  }
0x1a8: {  	[sflag:s15] =	ssyncset.done $0x0  }
0x1a9: {  	[sflag:s15] =	ssyncadd.s32 $0xFFFFC000  }
0x1aa: {  	[spmem:s2] =	stream.indirect.scatter.add.f32 [tilespmem:s13], [sflag:$0x3], $0x80, s29, s12, $0xb8;
	[tilespmem:$0x1D000] =	vst v63  }
0x1ab: {  	_ =	swait.ge [sflag:s10], $0x4000  }
0x1ac: {  	[sflag:s10] =	ssyncset.done $0x0  }
0x1ad: {  	[sflag:s10] =	ssyncadd.s32 $0xFFFFC000  }
0x1ae: {  	[tilespmem:s13], [sflag:$0x1] =	stream.indirect.gather [hbm4b:s4+s12], $0x80, s30, s12, $0xb8;
	[tilespmem:$0x1D000] =	vst v63  }
0x1af: {  	_ =	swait.ge [sflag:s16], $0x4000  }
0x1b0: {  	[sflag:s16] =	ssyncset.done $0x0  }
0x1b1: {  	[sflag:s16] =	ssyncadd.s32 $0xFFFFC000  }
0x1b2: {  	[spmem:s2] =	stream.indirect.scatter.add.f32 [tilespmem:s14], [sflag:$0x3], $0x80, s31, s12, $0xb8;
	[tilespmem:$0x1D000] =	vst v63  }
0x1b3: {  	_ =	swait.ge [sflag:s10], $0x4000  }
0x1b4: {  	[sflag:s10] =	ssyncset.done $0x0  }
0x1b5: {  	[sflag:s10] =	ssyncadd.s32 $0xFFFFC000  }
0x1b6: {  	[tilespmem:s14], [sflag:$0x2] =	stream.indirect.gather [hbm4b:s4+s12], $0x80, s1, s12, $0xb8;
	[tilespmem:$0x1D000] =	vst v63  }
0x1b7: {  	_ =	swait.ge [sflag:s15], $0x4000  }
0x1b8: {  	[sflag:s15] =	ssyncset.done $0x0  }
0x1b9: {  	[sflag:s15] =	ssyncadd.s32 $0xFFFFC000  }
0x1ba: {  	[spmem:s2] =	stream.indirect.scatter.add.f32 [tilespmem:s13], [sflag:$0x3], $0x80, s0, s12, $0xb8;
	[tilespmem:$0x1D000] =	vst v63  }
0x1bb: {  	_ =	swait.ge [sflag:s10], $0x4000  }
0x1bc: {  	[sflag:s10] =	ssyncset.done $0x0  }
0x1bd: {  	[sflag:s10] =	ssyncadd.s32 $0xFFFFC000  }
0x1be: {  	_ =	swait.ge [sflag:s16], $0x4000  }
0x1bf: {  	[sflag:s16] =	ssyncset.done $0x0  }
0x1c0: {  	[sflag:s16] =	ssyncadd.s32 $0xFFFFC000  }
0x1c1: {  	[spmem:s2] =	stream.indirect.scatter.add.f32 [tilespmem:s14], [sflag:$0x3], $0x80, s5, s12, $0xb8;
	[tilespmem:$0x1D000] =	vst v63  }
0x1c2: {  	_ =	swait.ge [sflag:s10], $0x4000  }
0x1c3: {  	[sflag:s10] =	ssyncset.done $0x0  }
0x1c4: {  	[sflag:s10] =	ssyncadd.s32 $0xFFFFC000  }
0x1c5: {  	[bflag:$0x0] =	sbarrier.arrive $0xFFFF  }
0x1c6: {  	s7 =	rddreg [dreg:$0x13]  }
0x1c7: {  	s9 =	rddreg [dreg:$0x14]  }
0x1c8: {  	s8 =	rddreg [dreg:$0x16]  }
0x1c9: {  	[hbm:s9], [sflag:s7] =	dma.local [spmem:s8], $0x2800  }
0x1ca: {  	_ =	swait.ge [sflag:s10], $0x2800  }
0x1cb: {  	s6 =	rddreg [dreg:$0x17]  }
0x1cc: {  	s9 =	sadd.s32 $0x1, s6;
	s6 =	rddreg [dreg:$0x15]  }
0x1cd: {  	p0 =	sne.s32 s9, s6  }
.Ltmp1:
0x1ce: {  	_ = 	snop;
	(pc) =	sbr.rel @p0 .LBB2_1-.Ltmp1, $3  }
0x1cf: {  	_ =	sdelay $0x1  }
0x1d0: {  	[sflag:s10] =	ssyncset.done $0x0  }
0x1d1: {  	[sflag:s10] =	ssyncadd.s32 $0xFFFFD800  }
0x1d2: {  	_ =	sfence.sel $0x180000  }
0x1d3: {  	[bflag:$0x0] =	sbarrier.arrive $0xFFFF  }
0x1d4: {  	_ =	strace $0x9000004A  }
0x1d5: {  	s0 =	stileid.u32;
	[bflag:$0x2] =	sbarrier.arrive $0xFFFF  }
0x1d6: {  	p0 =	sne.s32 s0, $0x0;
	s0 =	rddreg [dreg:$0x3]  }
0x1d7: {  	s0 =	sadd.s32 @!p0 $0x100000, s0  }
0x1d8: {  	[sflag:s0] =	ssyncadd.tile.s32 @!p0 $0x1;
	_ =	shalt  }
.Lfunc_end2:
_tile_overlayer_lowered:
.L_overlay_start_2:
0x1d9: {  	(tag) =	ssettag $0x2  }
0x1da: {  	s0 =	rddreg [dreg:$0x0];
	s2 =	stileid.u32  }
0x1db: {  	s1 =	rddreg [dreg:$0x1];
	p0 =	sne.s32 s2, $0x0  }
0x1dc: {  	s3 =	rddreg [dreg:$0x2];
	[bflag:$0x3] =	sbarrier.arrive $0xFFFF;
	s2 =	simm.s32 @!p0 $0x1C03  }
0x1dd: {  	[timem:s3], [sflag:s2] =	dma.local @!p0 [hbm:s0], s1  }
0x1de: {  	s0 =	simm.s32 @!p0 $0x3  }
0x1df: {  	_ =	swait.ge @!p0 [sflag:s0], s1  }
0x1e0: {  	s1 =	ssub.s32 @!p0 $0x0, s1;
	[sflag:s0] =	ssyncset.done @!p0 $0x0  }
0x1e1: {  	[sflag:s0] =	ssyncadd.s32 @!p0 s1  }
0x1e2: {  	[bflag:$0x3] =	sbarrier.arrive $0xFFFF  }
0x1e3: {  	_ =	shalt  }

</sc_bundles>
